<compile_context>
chip_gen: v7x
topology: tpu7x:2x2x1
jax: 0.10.2.dev20260603
libtpu: 0.0.44.dev20260713+nightly
codegen_flags: <defaults>
</compile_context>

<pallas_src>
import functools

import jax
import jax.numpy as jnp
from jax import lax
from jax.experimental import pallas as pl
from jax.experimental.pallas import tpu as pltpu
from jax.experimental.pallas import tpu_sc as plsc

NB = 8192
CD = 256
NTOK = 4096
BR = 1024
BC = 2048
NI = NTOK // BR
NJ = NB // BC

NW = 32
BPW = NTOK // NW
LANES = 16


NBATCH = BR // 256


def _dist_argmax_body(x_ref, cb_ref, idx_ref, commit_ref, cnorm_ref,
                      rowsq_ref, x2_ref, iotaf_ref, runmin_ref, runidx_ref):
    i = pl.program_id(0)
    j = pl.program_id(1)

    @pl.when(i == 0)
    def _cnorm():
        cb = cb_ref[...]
        cnorm_ref[pl.ds(j * BC, BC), :] = jnp.sum(cb * cb, axis=1,
                                                  keepdims=True)

    @pl.when(j == 0)
    def _init():
        rowsq_ref[...] = jnp.concatenate(
            [jnp.sum(x_ref[n] * x_ref[n], axis=0)[None, :]
             for n in range(NBATCH)], axis=1)
        x2_ref[...] = x_ref[...] + x_ref[...]
        runmin_ref[...] = jnp.full((BR,), jnp.inf, jnp.float32)
        runidx_ref[...] = jnp.zeros((BR,), jnp.int32)

        @pl.when(i == 0)
        def _iota():
            iotaf_ref[...] = lax.broadcasted_iota(
                jnp.int32, (BC, 1), 0).astype(jnp.float32)

    cb = cb_ref[...]
    dots2 = jnp.concatenate(
        [lax.dot_general(cb, x2_ref[n], (((1,), (0,)), ((), ())),
                         preferred_element_type=jnp.float32)
         for n in range(NBATCH)], axis=1)
    dist = (rowsq_ref[...] - dots2) + cnorm_ref[pl.ds(j * BC, BC), :]
    bmin = jnp.min(dist, axis=0)
    cand = jnp.where(dist == bmin[None, :], iotaf_ref[...], float(BC))
    barg = jnp.min(cand, axis=0).astype(jnp.int32) + j * BC
    better = bmin < runmin_ref[...]
    newmin = jnp.where(better, bmin, runmin_ref[...])
    newidx = jnp.where(better, barg, runidx_ref[...])
    runmin_ref[...] = newmin
    runidx_ref[...] = newidx

    @pl.when(j == NJ - 1)
    def _finish():
        idx_ref[...] = newidx
        part = jnp.sum(newmin)

        @pl.when(i == 0)
        def _zero():
            commit_ref[0] = 0.0

        commit_ref[0] += part


def _dist_argmax(x, codebook):
    return pl.pallas_call(
        _dist_argmax_body,
        grid=(NI, NJ),
        in_specs=[
            pl.BlockSpec((NBATCH, CD, 256), lambda i, j: (i, 0, 0)),
            pl.BlockSpec((BC, CD), lambda i, j: (j, 0)),
        ],
        out_specs=[
            pl.BlockSpec((BR,), lambda i, j: (i,)),
            pl.BlockSpec(memory_space=pltpu.SMEM),
        ],
        out_shape=[
            jax.ShapeDtypeStruct((NTOK,), jnp.int32),
            jax.ShapeDtypeStruct((1,), jnp.float32),
        ],
        scratch_shapes=[
            pltpu.VMEM((NB, 1), jnp.float32),
            pltpu.VMEM((1, BR), jnp.float32),
            pltpu.VMEM((NBATCH, CD, 256), jnp.float32),
            pltpu.VMEM((BC, 1), jnp.float32),
            pltpu.VMEM((BR,), jnp.float32),
            pltpu.VMEM((BR,), jnp.int32),
        ],
    )(x, codebook)


def _sc_body(cb_hbm, idx_hbm, xd_hbm, counts_hbm, idx_v, rows_v, cnt_v, sem):
    wid = lax.axis_index("s") * 2 + lax.axis_index("c")
    base = wid * BPW
    pltpu.sync_copy(idx_hbm.at[pl.ds(base, BPW)], idx_v)
    cp = pltpu.async_copy(cb_hbm.at[idx_v], rows_v, sem)

    zeros = jnp.zeros((LANES,), jnp.float32)

    def _zero_block(b, carry):
        for u in range(8):
            cnt_v[pl.ds((b * 8 + u) * LANES, LANES)] = zeros
        return carry

    lax.fori_loop(0, NB // (8 * LANES), _zero_block, 0)

    ones = jnp.ones((LANES,), jnp.float32)
    lane = lax.iota(jnp.int32, LANES)
    for v in range(BPW // LANES):
        iv = idx_v[pl.ds(v * LANES, LANES)]
        for k in range(LANES):
            plsc.addupdate_scatter(cnt_v, [iv], ones, mask=lane == k)

    cp.wait()
    pltpu.sync_copy(rows_v, xd_hbm.at[pl.ds(base, BPW)])
    pltpu.sync_copy(cnt_v, counts_hbm.at[wid])


def _sc_gather_hist(codebook, code_idx):
    call = pl.kernel(
        _sc_body,
        mesh=plsc.VectorSubcoreMesh(core_axis_name="c", subcore_axis_name="s"),
        out_type=[
            jax.ShapeDtypeStruct((NTOK, CD), jnp.float32),
            jax.ShapeDtypeStruct((NW, NB), jnp.float32),
        ],
        scratch_types=[
            pltpu.VMEM((BPW,), jnp.int32),
            pltpu.VMEM((BPW, CD), jnp.float32),
            pltpu.VMEM((NB,), jnp.float32),
            pltpu.SemaphoreType.DMA,
        ],
        compiler_params=pltpu.CompilerParams(needs_layout_passes=False),
    )
    return call(codebook, code_idx)


def _finalize_body(xd_ref, pc_ref, out_ref, perp_ref):
    out_ref[0] = xd_ref[...].T

    @pl.when(pl.program_id(0) == 0)
    def _perp():
        counts = jnp.sum(pc_ref[...], axis=0)
        p = counts * (1.0 / NTOK)
        ent = jnp.sum(p * jnp.log(p + 1e-7))
        perp_ref[0] = jnp.exp(-ent)


def _finalize(x_d, partial_counts, nbatches):
    return pl.pallas_call(
        _finalize_body,
        grid=(nbatches,),
        in_specs=[
            pl.BlockSpec((256, CD), lambda b: (b, 0)),
            pl.BlockSpec((NW, NB), lambda b: (0, 0)),
        ],
        out_specs=[
            pl.BlockSpec((1, CD, 256), lambda b: (b, 0, 0)),
            pl.BlockSpec(memory_space=pltpu.SMEM),
        ],
        out_shape=[
            jax.ShapeDtypeStruct((nbatches, CD, 256), jnp.float32),
            jax.ShapeDtypeStruct((1,), jnp.float32),
        ],
    )(x_d, partial_counts)


def kernel(x, codebook):
    N, C, T = x.shape
    code_idx, commit_sum = _dist_argmax(x, codebook)
    x_d, partial_counts = _sc_gather_hist(codebook, code_idx)
    x_d_out, perp = _finalize(x_d, partial_counts, N)
    commit_loss = commit_sum[0] * (1.0 / (NTOK * CD))
    return (x_d_out, commit_loss, perp[0])

# --- scband reference (transcript-rebuilt; emitter-appended) ---
"""Pipeline reference for scband-quantize-emareset-27693949125325 (READ-ONLY COPY).

The authoritative reference and input builder live on the scoring server;
editing this copy changes nothing except your own understanding.
"""

import jax, jax.numpy as jnp
import numpy as np

NB_CODE = 8192
CODE_DIM = 256

def setup_inputs(seed: int = 0) -> dict:
    key = jax.random.key(seed)
    k1, k2 = jax.random.split(key)
    x = jax.random.normal(k1, (16, 256, 256), dtype=jnp.float32)
    codebook = jax.random.normal(k2, (NB_CODE, CODE_DIM), dtype=jnp.float32)
    return {"x": x, "codebook": codebook}

def reference(x, codebook):
    # eval-mode forward of QuantizeEMAReset (training=False, temperature=0)
    N, C, T = x.shape
    x_flat = jnp.transpose(x, (0, 2, 1)).reshape(N * T, C)  # (n t) c
    # squared L2 distances to codebook
    distances = (jnp.sum(x_flat ** 2, axis=-1, keepdims=True)
                 - 2.0 * jnp.dot(x_flat, codebook.T)
                 + jnp.sum(codebook ** 2, axis=-1))
    logits = -distances
    code_idx = jnp.argmax(logits, axis=-1)
    # dequantize
    x_d = jnp.take(codebook, code_idx, axis=0)
    # eval-mode perplexity
    code_onehot = jax.nn.one_hot(code_idx, NB_CODE, dtype=jnp.float32)
    prob = jnp.sum(code_onehot, axis=0) / (x_flat.shape[0] + 1e-10)
    perplexity = jnp.exp(-jnp.sum(prob * jnp.log(prob + 1e-07)))
    # commitment loss + straight-through estimator
    commit_loss = jnp.mean((x_flat - jax.lax.stop_gradient(x_d)) ** 2)
    x_d_st = x_flat + jax.lax.stop_gradient(x_d - x_flat)
    x_d_out = jnp.transpose(x_d_st.reshape(N, T, C), (0, 2, 1))  # n c t
    return (x_d_out, commit_loss, perplexity)

if __name__ == "__main__":
    import jax
    _d = setup_inputs()
    print(jax.jit(kernel)(*tuple(_d.values())))

</pallas_src>

<mosaic_0001>
#map = affine_map<(d0, d1) -> (0, 0)>
#map1 = affine_map<(d0, d1) -> (0)>
module attributes {stable_mosaic.version = 14 : i64} {
  func.func @_sc_body(%arg0: i32, %arg1: i32, %arg2: memref<8192x256xf32, #tpu.memory_space<hbm>>, %arg3: memref<4096xi32, #tpu.memory_space<hbm>>, %arg4: memref<4096x256xf32, #tpu.memory_space<hbm>>, %arg5: memref<32x8192xf32, #tpu.memory_space<hbm>>, %arg6: memref<128xi32, #tpu.memory_space<vmem>>, %arg7: memref<128x256xf32, #tpu.memory_space<vmem>>, %arg8: memref<8192xf32, #tpu.memory_space<vmem>>, %arg9: memref<!tpu.dma_semaphore, #tpu.memory_space<semaphore_mem>>) attributes {dimension_semantics = [#tpu.dimension_semantics<core_parallel>, #tpu.dimension_semantics<subcore_parallel>], iteration_bounds = array<i64: 2, 16>, scalar_prefetch = 0 : i64, scratch_operands = 4 : i64, tpu.core_type = #tpu.core_type<sc_vector_subcore>, window_params = [{transform_indices = #map}, {transform_indices = #map1}, {transform_indices = #map}, {transform_indices = #map}]} {
    %mul3A = arith.constant 2 : i32
    %mul3A_0 = arith.muli %arg1, %mul3A : i32
    %add3A = arith.addi %mul3A_0, %arg0 : i32
    %mul3A_1 = arith.constant 128 : i32
    %mul3A_2 = arith.muli %add3A, %mul3A_1 : i32
    "tpu.region"() ({
      %run_scoped3A = tpu.sem_alloc : memref<!tpu.dma_semaphore, #tpu.memory_space<semaphore_mem>>
      %dma_start3A_413 = tpu.memref_slice %arg3[%mul3A_2] : memref<4096xi32, #tpu.memory_space<hbm>> -> memref<128xi32, #tpu.memory_space<hbm>>
      %dma_start3A_414 = tpu.memref_slice %arg3[%mul3A_2] : memref<4096xi32, #tpu.memory_space<hbm>> -> memref<128xi32, #tpu.memory_space<hbm>>
      tpu.enqueue_dma source(%dma_start3A_414 : memref<128xi32, #tpu.memory_space<hbm>>) target(%arg6 : memref<128xi32, #tpu.memory_space<vmem>>) target_semaphore(%run_scoped3A : memref<!tpu.dma_semaphore, #tpu.memory_space<semaphore_mem>>)
      %dma_wait3A_415 = tpu.memref_slice %arg3[%mul3A_2] : memref<4096xi32, #tpu.memory_space<hbm>> -> memref<128xi32, #tpu.memory_space<hbm>>
      %dma_wait3A_416 = tpu.memref_slice %arg3[%mul3A_2] : memref<4096xi32, #tpu.memory_space<hbm>> -> memref<128xi32, #tpu.memory_space<hbm>>
      tpu.wait_dma2 semaphore(%run_scoped3A : memref<!tpu.dma_semaphore, #tpu.memory_space<semaphore_mem>>) src(%dma_wait3A_416 : memref<128xi32, #tpu.memory_space<hbm>>) dst(%arg6 : memref<128xi32, #tpu.memory_space<vmem>>)
      tpu.yield
    }) : () -> ()
    %dma_start3A = arith.constant 0 : i32
    %dma_start3A_3 = arith.constant 0 : i32
    %dma_start3A_4 = tpu.memref_slice %arg2[%dma_start3A, %dma_start3A_3] : memref<8192x256xf32, #tpu.memory_space<hbm>> -> memref<8192x256xf32, #tpu.memory_space<hbm>>
    tpu.enqueue_indirect_dma source(%dma_start3A_4 : memref<8192x256xf32, #tpu.memory_space<hbm>>) target(%arg7 : memref<128x256xf32, #tpu.memory_space<vmem>>) offsets(%arg6 : memref<128xi32, #tpu.memory_space<vmem>>) semaphore(%arg9 : memref<!tpu.dma_semaphore, #tpu.memory_space<semaphore_mem>>)
    %broadcast_in_dim3A = arith.constant 0.000000e+00 : f32
    %broadcast_in_dim3A_5 = vector.broadcast %broadcast_in_dim3A : f32 to vector<16xf32>
    %scan3A = arith.constant 0 : i32
    %scan3A_6 = arith.constant 0 : i32
    %scan3A_7 = arith.constant 64 : i32
    %scan3A_8 = arith.addi %scan3A_6, %scan3A_7 : i32
    %scan3A_9 = arith.constant 1 : i32
    scf.for %scan3A_413 = %scan3A_6 to %scan3A_8 step %scan3A_9  : i32 {
      %mul3A_414 = arith.constant 8 : i32
      %mul3A_415 = arith.muli %scan3A_413, %mul3A_414 : i32
      %add3A_416 = arith.constant 0 : i32
      %add3A_417 = arith.addi %mul3A_415, %add3A_416 : i32
      %mul3A_418 = arith.constant 16 : i32
      %mul3A_419 = arith.muli %add3A_417, %mul3A_418 : i32
      %swap3A = arith.index_cast %mul3A_419 : i32 to index
      %swap3A_420 = tpu.vector_load %arg8[%swap3A] {strides = array<i32>} : memref<8192xf32, #tpu.memory_space<vmem>>, vector<16xf32>,
      tpu.vector_store %arg8[%swap3A], %broadcast_in_dim3A_5 {strides = array<i32>} : memref<8192xf32, #tpu.memory_space<vmem>>, vector<16xf32>,
      %mul3A_421 = arith.constant 8 : i32
      %mul3A_422 = arith.muli %scan3A_413, %mul3A_421 : i32
      %add3A_423 = arith.constant 1 : i32
      %add3A_424 = arith.addi %mul3A_422, %add3A_423 : i32
      %mul3A_425 = arith.constant 16 : i32
      %mul3A_426 = arith.muli %add3A_424, %mul3A_425 : i32
      %swap3A_427 = arith.index_cast %mul3A_426 : i32 to index
      %swap3A_428 = tpu.vector_load %arg8[%swap3A_427] {strides = array<i32>} : memref<8192xf32, #tpu.memory_space<vmem>>, vector<16xf32>,
      tpu.vector_store %arg8[%swap3A_427], %broadcast_in_dim3A_5 {strides = array<i32>} : memref<8192xf32, #tpu.memory_space<vmem>>, vector<16xf32>,
      %mul3A_429 = arith.constant 8 : i32
      %mul3A_430 = arith.muli %scan3A_413, %mul3A_429 : i32
      %add3A_431 = arith.constant 2 : i32
      %add3A_432 = arith.addi %mul3A_430, %add3A_431 : i32
      %mul3A_433 = arith.constant 16 : i32
      %mul3A_434 = arith.muli %add3A_432, %mul3A_433 : i32
      %swap3A_435 = arith.index_cast %mul3A_434 : i32 to index
      %swap3A_436 = tpu.vector_load %arg8[%swap3A_435] {strides = array<i32>} : memref<8192xf32, #tpu.memory_space<vmem>>, vector<16xf32>,
      tpu.vector_store %arg8[%swap3A_435], %broadcast_in_dim3A_5 {strides = array<i32>} : memref<8192xf32, #tpu.memory_space<vmem>>, vector<16xf32>,
      %mul3A_437 = arith.constant 8 : i32
      %mul3A_438 = arith.muli %scan3A_413, %mul3A_437 : i32
      %add3A_439 = arith.constant 3 : i32
      %add3A_440 = arith.addi %mul3A_438, %add3A_439 : i32
      %mul3A_441 = arith.constant 16 : i32
      %mul3A_442 = arith.muli %add3A_440, %mul3A_441 : i32
      %swap3A_443 = arith.index_cast %mul3A_442 : i32 to index
      %swap3A_444 = tpu.vector_load %arg8[%swap3A_443] {strides = array<i32>} : memref<8192xf32, #tpu.memory_space<vmem>>, vector<16xf32>,
      tpu.vector_store %arg8[%swap3A_443], %broadcast_in_dim3A_5 {strides = array<i32>} : memref<8192xf32, #tpu.memory_space<vmem>>, vector<16xf32>,
      %mul3A_445 = arith.constant 8 : i32
      %mul3A_446 = arith.muli %scan3A_413, %mul3A_445 : i32
      %add3A_447 = arith.constant 4 : i32
      %add3A_448 = arith.addi %mul3A_446, %add3A_447 : i32
      %mul3A_449 = arith.constant 16 : i32
      %mul3A_450 = arith.muli %add3A_448, %mul3A_449 : i32
      %swap3A_451 = arith.index_cast %mul3A_450 : i32 to index
      %swap3A_452 = tpu.vector_load %arg8[%swap3A_451] {strides = array<i32>} : memref<8192xf32, #tpu.memory_space<vmem>>, vector<16xf32>,
      tpu.vector_store %arg8[%swap3A_451], %broadcast_in_dim3A_5 {strides = array<i32>} : memref<8192xf32, #tpu.memory_space<vmem>>, vector<16xf32>,
      %mul3A_453 = arith.constant 8 : i32
      %mul3A_454 = arith.muli %scan3A_413, %mul3A_453 : i32
      %add3A_455 = arith.constant 5 : i32
      %add3A_456 = arith.addi %mul3A_454, %add3A_455 : i32
      %mul3A_457 = arith.constant 16 : i32
      %mul3A_458 = arith.muli %add3A_456, %mul3A_457 : i32
      %swap3A_459 = arith.index_cast %mul3A_458 : i32 to index
      %swap3A_460 = tpu.vector_load %arg8[%swap3A_459] {strides = array<i32>} : memref<8192xf32, #tpu.memory_space<vmem>>, vector<16xf32>,
      tpu.vector_store %arg8[%swap3A_459], %broadcast_in_dim3A_5 {strides = array<i32>} : memref<8192xf32, #tpu.memory_space<vmem>>, vector<16xf32>,
      %mul3A_461 = arith.constant 8 : i32
      %mul3A_462 = arith.muli %scan3A_413, %mul3A_461 : i32
      %add3A_463 = arith.constant 6 : i32
      %add3A_464 = arith.addi %mul3A_462, %add3A_463 : i32
      %mul3A_465 = arith.constant 16 : i32
      %mul3A_466 = arith.muli %add3A_464, %mul3A_465 : i32
      %swap3A_467 = arith.index_cast %mul3A_466 : i32 to index
      %swap3A_468 = tpu.vector_load %arg8[%swap3A_467] {strides = array<i32>} : memref<8192xf32, #tpu.memory_space<vmem>>, vector<16xf32>,
      tpu.vector_store %arg8[%swap3A_467], %broadcast_in_dim3A_5 {strides = array<i32>} : memref<8192xf32, #tpu.memory_space<vmem>>, vector<16xf32>,
      %mul3A_469 = arith.constant 8 : i32
      %mul3A_470 = arith.muli %scan3A_413, %mul3A_469 : i32
      %add3A_471 = arith.constant 7 : i32
      %add3A_472 = arith.addi %mul3A_470, %add3A_471 : i32
      %mul3A_473 = arith.constant 16 : i32
      %mul3A_474 = arith.muli %add3A_472, %mul3A_473 : i32
      %swap3A_475 = arith.index_cast %mul3A_474 : i32 to index
      %swap3A_476 = tpu.vector_load %arg8[%swap3A_475] {strides = array<i32>} : memref<8192xf32, #tpu.memory_space<vmem>>, vector<16xf32>,
      tpu.vector_store %arg8[%swap3A_475], %broadcast_in_dim3A_5 {strides = array<i32>} : memref<8192xf32, #tpu.memory_space<vmem>>, vector<16xf32>,
    }
    %scan3A_10 = arith.constant 64 : i32
    %broadcast_in_dim3A_11 = arith.constant 1.000000e+00 : f32
    %broadcast_in_dim3A_12 = vector.broadcast %broadcast_in_dim3A_11 : f32 to vector<16xf32>
    %iota3A = tpu.iota {dimensions = array<i32: 0>} : vector<16xi32>
    %get3A = arith.constant 0 : index
    %get3A_13 = tpu.vector_load %arg6[%get3A] {strides = array<i32>} : memref<128xi32, #tpu.memory_space<vmem>>, vector<16xi32>,
    %eq3A = arith.constant 0 : i32
    %eq3A_14 = vector.broadcast %eq3A : i32 to vector<16xi32>
    %eq3A_15 = arith.cmpi eq, %iota3A, %eq3A_14 : vector<16xi32>
    tpu.vector_store_idx %arg8[%get3A_13], %broadcast_in_dim3A_12 masked %eq3A_15 {add = true} : memref<8192xf32, #tpu.memory_space<vmem>>[vector<16xi32>], vector<16xf32>, vector<16xi1>
    %eq3A_16 = arith.constant 1 : i32
    %eq3A_17 = vector.broadcast %eq3A_16 : i32 to vector<16xi32>
    %eq3A_18 = arith.cmpi eq, %iota3A, %eq3A_17 : vector<16xi32>
    tpu.vector_store_idx %arg8[%get3A_13], %broadcast_in_dim3A_12 masked %eq3A_18 {add = true} : memref<8192xf32, #tpu.memory_space<vmem>>[vector<16xi32>], vector<16xf32>, vector<16xi1>
    %eq3A_19 = arith.constant 2 : i32
    %eq3A_20 = vector.broadcast %eq3A_19 : i32 to vector<16xi32>
    %eq3A_21 = arith.cmpi eq, %iota3A, %eq3A_20 : vector<16xi32>
    tpu.vector_store_idx %arg8[%get3A_13], %broadcast_in_dim3A_12 masked %eq3A_21 {add = true} : memref<8192xf32, #tpu.memory_space<vmem>>[vector<16xi32>], vector<16xf32>, vector<16xi1>
    %eq3A_22 = arith.constant 3 : i32
    %eq3A_23 = vector.broadcast %eq3A_22 : i32 to vector<16xi32>
    %eq3A_24 = arith.cmpi eq, %iota3A, %eq3A_23 : vector<16xi32>
    tpu.vector_store_idx %arg8[%get3A_13], %broadcast_in_dim3A_12 masked %eq3A_24 {add = true} : memref<8192xf32, #tpu.memory_space<vmem>>[vector<16xi32>], vector<16xf32>, vector<16xi1>
    %eq3A_25 = arith.constant 4 : i32
    %eq3A_26 = vector.broadcast %eq3A_25 : i32 to vector<16xi32>
    %eq3A_27 = arith.cmpi eq, %iota3A, %eq3A_26 : vector<16xi32>
    tpu.vector_store_idx %arg8[%get3A_13], %broadcast_in_dim3A_12 masked %eq3A_27 {add = true} : memref<8192xf32, #tpu.memory_space<vmem>>[vector<16xi32>], vector<16xf32>, vector<16xi1>
    %eq3A_28 = arith.constant 5 : i32
    %eq3A_29 = vector.broadcast %eq3A_28 : i32 to vector<16xi32>
    %eq3A_30 = arith.cmpi eq, %iota3A, %eq3A_29 : vector<16xi32>
    tpu.vector_store_idx %arg8[%get3A_13], %broadcast_in_dim3A_12 masked %eq3A_30 {add = true} : memref<8192xf32, #tpu.memory_space<vmem>>[vector<16xi32>], vector<16xf32>, vector<16xi1>
    %eq3A_31 = arith.constant 6 : i32
    %eq3A_32 = vector.broadcast %eq3A_31 : i32 to vector<16xi32>
    %eq3A_33 = arith.cmpi eq, %iota3A, %eq3A_32 : vector<16xi32>
    tpu.vector_store_idx %arg8[%get3A_13], %broadcast_in_dim3A_12 masked %eq3A_33 {add = true} : memref<8192xf32, #tpu.memory_space<vmem>>[vector<16xi32>], vector<16xf32>, vector<16xi1>
    %eq3A_34 = arith.constant 7 : i32
    %eq3A_35 = vector.broadcast %eq3A_34 : i32 to vector<16xi32>
    %eq3A_36 = arith.cmpi eq, %iota3A, %eq3A_35 : vector<16xi32>
    tpu.vector_store_idx %arg8[%get3A_13], %broadcast_in_dim3A_12 masked %eq3A_36 {add = true} : memref<8192xf32, #tpu.memory_space<vmem>>[vector<16xi32>], vector<16xf32>, vector<16xi1>
    %eq3A_37 = arith.constant 8 : i32
    %eq3A_38 = vector.broadcast %eq3A_37 : i32 to vector<16xi32>
    %eq3A_39 = arith.cmpi eq, %iota3A, %eq3A_38 : vector<16xi32>
    tpu.vector_store_idx %arg8[%get3A_13], %broadcast_in_dim3A_12 masked %eq3A_39 {add = true} : memref<8192xf32, #tpu.memory_space<vmem>>[vector<16xi32>], vector<16xf32>, vector<16xi1>
    %eq3A_40 = arith.constant 9 : i32
    %eq3A_41 = vector.broadcast %eq3A_40 : i32 to vector<16xi32>
    %eq3A_42 = arith.cmpi eq, %iota3A, %eq3A_41 : vector<16xi32>
    tpu.vector_store_idx %arg8[%get3A_13], %broadcast_in_dim3A_12 masked %eq3A_42 {add = true} : memref<8192xf32, #tpu.memory_space<vmem>>[vector<16xi32>], vector<16xf32>, vector<16xi1>
    %eq3A_43 = arith.constant 10 : i32
    %eq3A_44 = vector.broadcast %eq3A_43 : i32 to vector<16xi32>
    %eq3A_45 = arith.cmpi eq, %iota3A, %eq3A_44 : vector<16xi32>
    tpu.vector_store_idx %arg8[%get3A_13], %broadcast_in_dim3A_12 masked %eq3A_45 {add = true} : memref<8192xf32, #tpu.memory_space<vmem>>[vector<16xi32>], vector<16xf32>, vector<16xi1>
    %eq3A_46 = arith.constant 11 : i32
    %eq3A_47 = vector.broadcast %eq3A_46 : i32 to vector<16xi32>
    %eq3A_48 = arith.cmpi eq, %iota3A, %eq3A_47 : vector<16xi32>
    tpu.vector_store_idx %arg8[%get3A_13], %broadcast_in_dim3A_12 masked %eq3A_48 {add = true} : memref<8192xf32, #tpu.memory_space<vmem>>[vector<16xi32>], vector<16xf32>, vector<16xi1>
    %eq3A_49 = arith.constant 12 : i32
    %eq3A_50 = vector.broadcast %eq3A_49 : i32 to vector<16xi32>
    %eq3A_51 = arith.cmpi eq, %iota3A, %eq3A_50 : vector<16xi32>
    tpu.vector_store_idx %arg8[%get3A_13], %broadcast_in_dim3A_12 masked %eq3A_51 {add = true} : memref<8192xf32, #tpu.memory_space<vmem>>[vector<16xi32>], vector<16xf32>, vector<16xi1>
    %eq3A_52 = arith.constant 13 : i32
    %eq3A_53 = vector.broadcast %eq3A_52 : i32 to vector<16xi32>
    %eq3A_54 = arith.cmpi eq, %iota3A, %eq3A_53 : vector<16xi32>
    tpu.vector_store_idx %arg8[%get3A_13], %broadcast_in_dim3A_12 masked %eq3A_54 {add = true} : memref<8192xf32, #tpu.memory_space<vmem>>[vector<16xi32>], vector<16xf32>, vector<16xi1>
    %eq3A_55 = arith.constant 14 : i32
    %eq3A_56 = vector.broadcast %eq3A_55 : i32 to vector<16xi32>
    %eq3A_57 = arith.cmpi eq, %iota3A, %eq3A_56 : vector<16xi32>
    tpu.vector_store_idx %arg8[%get3A_13], %broadcast_in_dim3A_12 masked %eq3A_57 {add = true} : memref<8192xf32, #tpu.memory_space<vmem>>[vector<16xi32>], vector<16xf32>, vector<16xi1>
    %eq3A_58 = arith.constant 15 : i32
    %eq3A_59 = vector.broadcast %eq3A_58 : i32 to vector<16xi32>
    %eq3A_60 = arith.cmpi eq, %iota3A, %eq3A_59 : vector<16xi32>
    tpu.vector_store_idx %arg8[%get3A_13], %broadcast_in_dim3A_12 masked %eq3A_60 {add = true} : memref<8192xf32, #tpu.memory_space<vmem>>[vector<16xi32>], vector<16xf32>, vector<16xi1>
    %get3A_61 = arith.constant 16 : index
    %get3A_62 = tpu.vector_load %arg6[%get3A_61] {strides = array<i32>} : memref<128xi32, #tpu.memory_space<vmem>>, vector<16xi32>,
    %eq3A_63 = arith.constant 0 : i32
    %eq3A_64 = vector.broadcast %eq3A_63 : i32 to vector<16xi32>
    %eq3A_65 = arith.cmpi eq, %iota3A, %eq3A_64 : vector<16xi32>
    tpu.vector_store_idx %arg8[%get3A_62], %broadcast_in_dim3A_12 masked %eq3A_65 {add = true} : memref<8192xf32, #tpu.memory_space<vmem>>[vector<16xi32>], vector<16xf32>, vector<16xi1>
    %eq3A_66 = arith.constant 1 : i32
    %eq3A_67 = vector.broadcast %eq3A_66 : i32 to vector<16xi32>
    %eq3A_68 = arith.cmpi eq, %iota3A, %eq3A_67 : vector<16xi32>
    tpu.vector_store_idx %arg8[%get3A_62], %broadcast_in_dim3A_12 masked %eq3A_68 {add = true} : memref<8192xf32, #tpu.memory_space<vmem>>[vector<16xi32>], vector<16xf32>, vector<16xi1>
    %eq3A_69 = arith.constant 2 : i32
    %eq3A_70 = vector.broadcast %eq3A_69 : i32 to vector<16xi32>
    %eq3A_71 = arith.cmpi eq, %iota3A, %eq3A_70 : vector<16xi32>
    tpu.vector_store_idx %arg8[%get3A_62], %broadcast_in_dim3A_12 masked %eq3A_71 {add = true} : memref<8192xf32, #tpu.memory_space<vmem>>[vector<16xi32>], vector<16xf32>, vector<16xi1>
    %eq3A_72 = arith.constant 3 : i32
    %eq3A_73 = vector.broadcast %eq3A_72 : i32 to vector<16xi32>
    %eq3A_74 = arith.cmpi eq, %iota3A, %eq3A_73 : vector<16xi32>
    tpu.vector_store_idx %arg8[%get3A_62], %broadcast_in_dim3A_12 masked %eq3A_74 {add = true} : memref<8192xf32, #tpu.memory_space<vmem>>[vector<16xi32>], vector<16xf32>, vector<16xi1>
    %eq3A_75 = arith.constant 4 : i32
    %eq3A_76 = vector.broadcast %eq3A_75 : i32 to vector<16xi32>
    %eq3A_77 = arith.cmpi eq, %iota3A, %eq3A_76 : vector<16xi32>
    tpu.vector_store_idx %arg8[%get3A_62], %broadcast_in_dim3A_12 masked %eq3A_77 {add = true} : memref<8192xf32, #tpu.memory_space<vmem>>[vector<16xi32>], vector<16xf32>, vector<16xi1>
    %eq3A_78 = arith.constant 5 : i32
    %eq3A_79 = vector.broadcast %eq3A_78 : i32 to vector<16xi32>
    %eq3A_80 = arith.cmpi eq, %iota3A, %eq3A_79 : vector<16xi32>
    tpu.vector_store_idx %arg8[%get3A_62], %broadcast_in_dim3A_12 masked %eq3A_80 {add = true} : memref<8192xf32, #tpu.memory_space<vmem>>[vector<16xi32>], vector<16xf32>, vector<16xi1>
    %eq3A_81 = arith.constant 6 : i32
    %eq3A_82 = vector.broadcast %eq3A_81 : i32 to vector<16xi32>
    %eq3A_83 = arith.cmpi eq, %iota3A, %eq3A_82 : vector<16xi32>
    tpu.vector_store_idx %arg8[%get3A_62], %broadcast_in_dim3A_12 masked %eq3A_83 {add = true} : memref<8192xf32, #tpu.memory_space<vmem>>[vector<16xi32>], vector<16xf32>, vector<16xi1>
    %eq3A_84 = arith.constant 7 : i32
    %eq3A_85 = vector.broadcast %eq3A_84 : i32 to vector<16xi32>
    %eq3A_86 = arith.cmpi eq, %iota3A, %eq3A_85 : vector<16xi32>
    tpu.vector_store_idx %arg8[%get3A_62], %broadcast_in_dim3A_12 masked %eq3A_86 {add = true} : memref<8192xf32, #tpu.memory_space<vmem>>[vector<16xi32>], vector<16xf32>, vector<16xi1>
    %eq3A_87 = arith.constant 8 : i32
    %eq3A_88 = vector.broadcast %eq3A_87 : i32 to vector<16xi32>
    %eq3A_89 = arith.cmpi eq, %iota3A, %eq3A_88 : vector<16xi32>
    tpu.vector_store_idx %arg8[%get3A_62], %broadcast_in_dim3A_12 masked %eq3A_89 {add = true} : memref<8192xf32, #tpu.memory_space<vmem>>[vector<16xi32>], vector<16xf32>, vector<16xi1>
    %eq3A_90 = arith.constant 9 : i32
    %eq3A_91 = vector.broadcast %eq3A_90 : i32 to vector<16xi32>
    %eq3A_92 = arith.cmpi eq, %iota3A, %eq3A_91 : vector<16xi32>
    tpu.vector_store_idx %arg8[%get3A_62], %broadcast_in_dim3A_12 masked %eq3A_92 {add = true} : memref<8192xf32, #tpu.memory_space<vmem>>[vector<16xi32>], vector<16xf32>, vector<16xi1>
    %eq3A_93 = arith.constant 10 : i32
    %eq3A_94 = vector.broadcast %eq3A_93 : i32 to vector<16xi32>
    %eq3A_95 = arith.cmpi eq, %iota3A, %eq3A_94 : vector<16xi32>
    tpu.vector_store_idx %arg8[%get3A_62], %broadcast_in_dim3A_12 masked %eq3A_95 {add = true} : memref<8192xf32, #tpu.memory_space<vmem>>[vector<16xi32>], vector<16xf32>, vector<16xi1>
    %eq3A_96 = arith.constant 11 : i32
    %eq3A_97 = vector.broadcast %eq3A_96 : i32 to vector<16xi32>
    %eq3A_98 = arith.cmpi eq, %iota3A, %eq3A_97 : vector<16xi32>
    tpu.vector_store_idx %arg8[%get3A_62], %broadcast_in_dim3A_12 masked %eq3A_98 {add = true} : memref<8192xf32, #tpu.memory_space<vmem>>[vector<16xi32>], vector<16xf32>, vector<16xi1>
    %eq3A_99 = arith.constant 12 : i32
    %eq3A_100 = vector.broadcast %eq3A_99 : i32 to vector<16xi32>
    %eq3A_101 = arith.cmpi eq, %iota3A, %eq3A_100 : vector<16xi32>
    tpu.vector_store_idx %arg8[%get3A_62], %broadcast_in_dim3A_12 masked %eq3A_101 {add = true} : memref<8192xf32, #tpu.memory_space<vmem>>[vector<16xi32>], vector<16xf32>, vector<16xi1>
    %eq3A_102 = arith.constant 13 : i32
    %eq3A_103 = vector.broadcast %eq3A_102 : i32 to vector<16xi32>
    %eq3A_104 = arith.cmpi eq, %iota3A, %eq3A_103 : vector<16xi32>
    tpu.vector_store_idx %arg8[%get3A_62], %broadcast_in_dim3A_12 masked %eq3A_104 {add = true} : memref<8192xf32, #tpu.memory_space<vmem>>[vector<16xi32>], vector<16xf32>, vector<16xi1>
    %eq3A_105 = arith.constant 14 : i32
    %eq3A_106 = vector.broadcast %eq3A_105 : i32 to vector<16xi32>
    %eq3A_107 = arith.cmpi eq, %iota3A, %eq3A_106 : vector<16xi32>
    tpu.vector_store_idx %arg8[%get3A_62], %broadcast_in_dim3A_12 masked %eq3A_107 {add = true} : memref<8192xf32, #tpu.memory_space<vmem>>[vector<16xi32>], vector<16xf32>, vector<16xi1>
    %eq3A_108 = arith.constant 15 : i32
    %eq3A_109 = vector.broadcast %eq3A_108 : i32 to vector<16xi32>
    %eq3A_110 = arith.cmpi eq, %iota3A, %eq3A_109 : vector<16xi32>
    tpu.vector_store_idx %arg8[%get3A_62], %broadcast_in_dim3A_12 masked %eq3A_110 {add = true} : memref<8192xf32, #tpu.memory_space<vmem>>[vector<16xi32>], vector<16xf32>, vector<16xi1>
    %get3A_111 = arith.constant 32 : index
    %get3A_112 = tpu.vector_load %arg6[%get3A_111] {strides = array<i32>} : memref<128xi32, #tpu.memory_space<vmem>>, vector<16xi32>,
    %eq3A_113 = arith.constant 0 : i32
    %eq3A_114 = vector.broadcast %eq3A_113 : i32 to vector<16xi32>
    %eq3A_115 = arith.cmpi eq, %iota3A, %eq3A_114 : vector<16xi32>
    tpu.vector_store_idx %arg8[%get3A_112], %broadcast_in_dim3A_12 masked %eq3A_115 {add = true} : memref<8192xf32, #tpu.memory_space<vmem>>[vector<16xi32>], vector<16xf32>, vector<16xi1>
    %eq3A_116 = arith.constant 1 : i32
    %eq3A_117 = vector.broadcast %eq3A_116 : i32 to vector<16xi32>
    %eq3A_118 = arith.cmpi eq, %iota3A, %eq3A_117 : vector<16xi32>
    tpu.vector_store_idx %arg8[%get3A_112], %broadcast_in_dim3A_12 masked %eq3A_118 {add = true} : memref<8192xf32, #tpu.memory_space<vmem>>[vector<16xi32>], vector<16xf32>, vector<16xi1>
    %eq3A_119 = arith.constant 2 : i32
    %eq3A_120 = vector.broadcast %eq3A_119 : i32 to vector<16xi32>
    %eq3A_121 = arith.cmpi eq, %iota3A, %eq3A_120 : vector<16xi32>
    tpu.vector_store_idx %arg8[%get3A_112], %broadcast_in_dim3A_12 masked %eq3A_121 {add = true} : memref<8192xf32, #tpu.memory_space<vmem>>[vector<16xi32>], vector<16xf32>, vector<16xi1>
    %eq3A_122 = arith.constant 3 : i32
    %eq3A_123 = vector.broadcast %eq3A_122 : i32 to vector<16xi32>
    %eq3A_124 = arith.cmpi eq, %iota3A, %eq3A_123 : vector<16xi32>
    tpu.vector_store_idx %arg8[%get3A_112], %broadcast_in_dim3A_12 masked %eq3A_124 {add = true} : memref<8192xf32, #tpu.memory_space<vmem>>[vector<16xi32>], vector<16xf32>, vector<16xi1>
    %eq3A_125 = arith.constant 4 : i32
    %eq3A_126 = vector.broadcast %eq3A_125 : i32 to vector<16xi32>
    %eq3A_127 = arith.cmpi eq, %iota3A, %eq3A_126 : vector<16xi32>
    tpu.vector_store_idx %arg8[%get3A_112], %broadcast_in_dim3A_12 masked %eq3A_127 {add = true} : memref<8192xf32, #tpu.memory_space<vmem>>[vector<16xi32>], vector<16xf32>, vector<16xi1>
    %eq3A_128 = arith.constant 5 : i32
    %eq3A_129 = vector.broadcast %eq3A_128 : i32 to vector<16xi32>
    %eq3A_130 = arith.cmpi eq, %iota3A, %eq3A_129 : vector<16xi32>
    tpu.vector_store_idx %arg8[%get3A_112], %broadcast_in_dim3A_12 masked %eq3A_130 {add = true} : memref<8192xf32, #tpu.memory_space<vmem>>[vector<16xi32>], vector<16xf32>, vector<16xi1>
    %eq3A_131 = arith.constant 6 : i32
    %eq3A_132 = vector.broadcast %eq3A_131 : i32 to vector<16xi32>
    %eq3A_133 = arith.cmpi eq, %iota3A, %eq3A_132 : vector<16xi32>
    tpu.vector_store_idx %arg8[%get3A_112], %broadcast_in_dim3A_12 masked %eq3A_133 {add = true} : memref<8192xf32, #tpu.memory_space<vmem>>[vector<16xi32>], vector<16xf32>, vector<16xi1>
    %eq3A_134 = arith.constant 7 : i32
    %eq3A_135 = vector.broadcast %eq3A_134 : i32 to vector<16xi32>
    %eq3A_136 = arith.cmpi eq, %iota3A, %eq3A_135 : vector<16xi32>
    tpu.vector_store_idx %arg8[%get3A_112], %broadcast_in_dim3A_12 masked %eq3A_136 {add = true} : memref<8192xf32, #tpu.memory_space<vmem>>[vector<16xi32>], vector<16xf32>, vector<16xi1>
    %eq3A_137 = arith.constant 8 : i32
    %eq3A_138 = vector.broadcast %eq3A_137 : i32 to vector<16xi32>
    %eq3A_139 = arith.cmpi eq, %iota3A, %eq3A_138 : vector<16xi32>
    tpu.vector_store_idx %arg8[%get3A_112], %broadcast_in_dim3A_12 masked %eq3A_139 {add = true} : memref<8192xf32, #tpu.memory_space<vmem>>[vector<16xi32>], vector<16xf32>, vector<16xi1>
    %eq3A_140 = arith.constant 9 : i32
    %eq3A_141 = vector.broadcast %eq3A_140 : i32 to vector<16xi32>
    %eq3A_142 = arith.cmpi eq, %iota3A, %eq3A_141 : vector<16xi32>
    tpu.vector_store_idx %arg8[%get3A_112], %broadcast_in_dim3A_12 masked %eq3A_142 {add = true} : memref<8192xf32, #tpu.memory_space<vmem>>[vector<16xi32>], vector<16xf32>, vector<16xi1>
    %eq3A_143 = arith.constant 10 : i32
    %eq3A_144 = vector.broadcast %eq3A_143 : i32 to vector<16xi32>
    %eq3A_145 = arith.cmpi eq, %iota3A, %eq3A_144 : vector<16xi32>
    tpu.vector_store_idx %arg8[%get3A_112], %broadcast_in_dim3A_12 masked %eq3A_145 {add = true} : memref<8192xf32, #tpu.memory_space<vmem>>[vector<16xi32>], vector<16xf32>, vector<16xi1>
    %eq3A_146 = arith.constant 11 : i32
    %eq3A_147 = vector.broadcast %eq3A_146 : i32 to vector<16xi32>
    %eq3A_148 = arith.cmpi eq, %iota3A, %eq3A_147 : vector<16xi32>
    tpu.vector_store_idx %arg8[%get3A_112], %broadcast_in_dim3A_12 masked %eq3A_148 {add = true} : memref<8192xf32, #tpu.memory_space<vmem>>[vector<16xi32>], vector<16xf32>, vector<16xi1>
    %eq3A_149 = arith.constant 12 : i32
    %eq3A_150 = vector.broadcast %eq3A_149 : i32 to vector<16xi32>
    %eq3A_151 = arith.cmpi eq, %iota3A, %eq3A_150 : vector<16xi32>
    tpu.vector_store_idx %arg8[%get3A_112], %broadcast_in_dim3A_12 masked %eq3A_151 {add = true} : memref<8192xf32, #tpu.memory_space<vmem>>[vector<16xi32>], vector<16xf32>, vector<16xi1>
    %eq3A_152 = arith.constant 13 : i32
    %eq3A_153 = vector.broadcast %eq3A_152 : i32 to vector<16xi32>
    %eq3A_154 = arith.cmpi eq, %iota3A, %eq3A_153 : vector<16xi32>
    tpu.vector_store_idx %arg8[%get3A_112], %broadcast_in_dim3A_12 masked %eq3A_154 {add = true} : memref<8192xf32, #tpu.memory_space<vmem>>[vector<16xi32>], vector<16xf32>, vector<16xi1>
    %eq3A_155 = arith.constant 14 : i32
    %eq3A_156 = vector.broadcast %eq3A_155 : i32 to vector<16xi32>
    %eq3A_157 = arith.cmpi eq, %iota3A, %eq3A_156 : vector<16xi32>
    tpu.vector_store_idx %arg8[%get3A_112], %broadcast_in_dim3A_12 masked %eq3A_157 {add = true} : memref<8192xf32, #tpu.memory_space<vmem>>[vector<16xi32>], vector<16xf32>, vector<16xi1>
    %eq3A_158 = arith.constant 15 : i32
    %eq3A_159 = vector.broadcast %eq3A_158 : i32 to vector<16xi32>
    %eq3A_160 = arith.cmpi eq, %iota3A, %eq3A_159 : vector<16xi32>
    tpu.vector_store_idx %arg8[%get3A_112], %broadcast_in_dim3A_12 masked %eq3A_160 {add = true} : memref<8192xf32, #tpu.memory_space<vmem>>[vector<16xi32>], vector<16xf32>, vector<16xi1>
    %get3A_161 = arith.constant 48 : index
    %get3A_162 = tpu.vector_load %arg6[%get3A_161] {strides = array<i32>} : memref<128xi32, #tpu.memory_space<vmem>>, vector<16xi32>,
    %eq3A_163 = arith.constant 0 : i32
    %eq3A_164 = vector.broadcast %eq3A_163 : i32 to vector<16xi32>
    %eq3A_165 = arith.cmpi eq, %iota3A, %eq3A_164 : vector<16xi32>
    tpu.vector_store_idx %arg8[%get3A_162], %broadcast_in_dim3A_12 masked %eq3A_165 {add = true} : memref<8192xf32, #tpu.memory_space<vmem>>[vector<16xi32>], vector<16xf32>, vector<16xi1>
    %eq3A_166 = arith.constant 1 : i32
    %eq3A_167 = vector.broadcast %eq3A_166 : i32 to vector<16xi32>
    %eq3A_168 = arith.cmpi eq, %iota3A, %eq3A_167 : vector<16xi32>
    tpu.vector_store_idx %arg8[%get3A_162], %broadcast_in_dim3A_12 masked %eq3A_168 {add = true} : memref<8192xf32, #tpu.memory_space<vmem>>[vector<16xi32>], vector<16xf32>, vector<16xi1>
    %eq3A_169 = arith.constant 2 : i32
    %eq3A_170 = vector.broadcast %eq3A_169 : i32 to vector<16xi32>
    %eq3A_171 = arith.cmpi eq, %iota3A, %eq3A_170 : vector<16xi32>
    tpu.vector_store_idx %arg8[%get3A_162], %broadcast_in_dim3A_12 masked %eq3A_171 {add = true} : memref<8192xf32, #tpu.memory_space<vmem>>[vector<16xi32>], vector<16xf32>, vector<16xi1>
    %eq3A_172 = arith.constant 3 : i32
    %eq3A_173 = vector.broadcast %eq3A_172 : i32 to vector<16xi32>
    %eq3A_174 = arith.cmpi eq, %iota3A, %eq3A_173 : vector<16xi32>
    tpu.vector_store_idx %arg8[%get3A_162], %broadcast_in_dim3A_12 masked %eq3A_174 {add = true} : memref<8192xf32, #tpu.memory_space<vmem>>[vector<16xi32>], vector<16xf32>, vector<16xi1>
    %eq3A_175 = arith.constant 4 : i32
    %eq3A_176 = vector.broadcast %eq3A_175 : i32 to vector<16xi32>
    %eq3A_177 = arith.cmpi eq, %iota3A, %eq3A_176 : vector<16xi32>
    tpu.vector_store_idx %arg8[%get3A_162], %broadcast_in_dim3A_12 masked %eq3A_177 {add = true} : memref<8192xf32, #tpu.memory_space<vmem>>[vector<16xi32>], vector<16xf32>, vector<16xi1>
    %eq3A_178 = arith.constant 5 : i32
    %eq3A_179 = vector.broadcast %eq3A_178 : i32 to vector<16xi32>
    %eq3A_180 = arith.cmpi eq, %iota3A, %eq3A_179 : vector<16xi32>
    tpu.vector_store_idx %arg8[%get3A_162], %broadcast_in_dim3A_12 masked %eq3A_180 {add = true} : memref<8192xf32, #tpu.memory_space<vmem>>[vector<16xi32>], vector<16xf32>, vector<16xi1>
    %eq3A_181 = arith.constant 6 : i32
    %eq3A_182 = vector.broadcast %eq3A_181 : i32 to vector<16xi32>
    %eq3A_183 = arith.cmpi eq, %iota3A, %eq3A_182 : vector<16xi32>
    tpu.vector_store_idx %arg8[%get3A_162], %broadcast_in_dim3A_12 masked %eq3A_183 {add = true} : memref<8192xf32, #tpu.memory_space<vmem>>[vector<16xi32>], vector<16xf32>, vector<16xi1>
    %eq3A_184 = arith.constant 7 : i32
    %eq3A_185 = vector.broadcast %eq3A_184 : i32 to vector<16xi32>
    %eq3A_186 = arith.cmpi eq, %iota3A, %eq3A_185 : vector<16xi32>
    tpu.vector_store_idx %arg8[%get3A_162], %broadcast_in_dim3A_12 masked %eq3A_186 {add = true} : memref<8192xf32, #tpu.memory_space<vmem>>[vector<16xi32>], vector<16xf32>, vector<16xi1>
    %eq3A_187 = arith.constant 8 : i32
    %eq3A_188 = vector.broadcast %eq3A_187 : i32 to vector<16xi32>
    %eq3A_189 = arith.cmpi eq, %iota3A, %eq3A_188 : vector<16xi32>
    tpu.vector_store_idx %arg8[%get3A_162], %broadcast_in_dim3A_12 masked %eq3A_189 {add = true} : memref<8192xf32, #tpu.memory_space<vmem>>[vector<16xi32>], vector<16xf32>, vector<16xi1>
    %eq3A_190 = arith.constant 9 : i32
    %eq3A_191 = vector.broadcast %eq3A_190 : i32 to vector<16xi32>
    %eq3A_192 = arith.cmpi eq, %iota3A, %eq3A_191 : vector<16xi32>
    tpu.vector_store_idx %arg8[%get3A_162], %broadcast_in_dim3A_12 masked %eq3A_192 {add = true} : memref<8192xf32, #tpu.memory_space<vmem>>[vector<16xi32>], vector<16xf32>, vector<16xi1>
    %eq3A_193 = arith.constant 10 : i32
    %eq3A_194 = vector.broadcast %eq3A_193 : i32 to vector<16xi32>
    %eq3A_195 = arith.cmpi eq, %iota3A, %eq3A_194 : vector<16xi32>
    tpu.vector_store_idx %arg8[%get3A_162], %broadcast_in_dim3A_12 masked %eq3A_195 {add = true} : memref<8192xf32, #tpu.memory_space<vmem>>[vector<16xi32>], vector<16xf32>, vector<16xi1>
    %eq3A_196 = arith.constant 11 : i32
    %eq3A_197 = vector.broadcast %eq3A_196 : i32 to vector<16xi32>
    %eq3A_198 = arith.cmpi eq, %iota3A, %eq3A_197 : vector<16xi32>
    tpu.vector_store_idx %arg8[%get3A_162], %broadcast_in_dim3A_12 masked %eq3A_198 {add = true} : memref<8192xf32, #tpu.memory_space<vmem>>[vector<16xi32>], vector<16xf32>, vector<16xi1>
    %eq3A_199 = arith.constant 12 : i32
    %eq3A_200 = vector.broadcast %eq3A_199 : i32 to vector<16xi32>
    %eq3A_201 = arith.cmpi eq, %iota3A, %eq3A_200 : vector<16xi32>
    tpu.vector_store_idx %arg8[%get3A_162], %broadcast_in_dim3A_12 masked %eq3A_201 {add = true} : memref<8192xf32, #tpu.memory_space<vmem>>[vector<16xi32>], vector<16xf32>, vector<16xi1>
    %eq3A_202 = arith.constant 13 : i32
    %eq3A_203 = vector.broadcast %eq3A_202 : i32 to vector<16xi32>
    %eq3A_204 = arith.cmpi eq, %iota3A, %eq3A_203 : vector<16xi32>
    tpu.vector_store_idx %arg8[%get3A_162], %broadcast_in_dim3A_12 masked %eq3A_204 {add = true} : memref<8192xf32, #tpu.memory_space<vmem>>[vector<16xi32>], vector<16xf32>, vector<16xi1>
    %eq3A_205 = arith.constant 14 : i32
    %eq3A_206 = vector.broadcast %eq3A_205 : i32 to vector<16xi32>
    %eq3A_207 = arith.cmpi eq, %iota3A, %eq3A_206 : vector<16xi32>
    tpu.vector_store_idx %arg8[%get3A_162], %broadcast_in_dim3A_12 masked %eq3A_207 {add = true} : memref<8192xf32, #tpu.memory_space<vmem>>[vector<16xi32>], vector<16xf32>, vector<16xi1>
    %eq3A_208 = arith.constant 15 : i32
    %eq3A_209 = vector.broadcast %eq3A_208 : i32 to vector<16xi32>
    %eq3A_210 = arith.cmpi eq, %iota3A, %eq3A_209 : vector<16xi32>
    tpu.vector_store_idx %arg8[%get3A_162], %broadcast_in_dim3A_12 masked %eq3A_210 {add = true} : memref<8192xf32, #tpu.memory_space<vmem>>[vector<16xi32>], vector<16xf32>, vector<16xi1>
    %get3A_211 = arith.constant 64 : index
    %get3A_212 = tpu.vector_load %arg6[%get3A_211] {strides = array<i32>} : memref<128xi32, #tpu.memory_space<vmem>>, vector<16xi32>,
    %eq3A_213 = arith.constant 0 : i32
    %eq3A_214 = vector.broadcast %eq3A_213 : i32 to vector<16xi32>
    %eq3A_215 = arith.cmpi eq, %iota3A, %eq3A_214 : vector<16xi32>
    tpu.vector_store_idx %arg8[%get3A_212], %broadcast_in_dim3A_12 masked %eq3A_215 {add = true} : memref<8192xf32, #tpu.memory_space<vmem>>[vector<16xi32>], vector<16xf32>, vector<16xi1>
    %eq3A_216 = arith.constant 1 : i32
    %eq3A_217 = vector.broadcast %eq3A_216 : i32 to vector<16xi32>
    %eq3A_218 = arith.cmpi eq, %iota3A, %eq3A_217 : vector<16xi32>
    tpu.vector_store_idx %arg8[%get3A_212], %broadcast_in_dim3A_12 masked %eq3A_218 {add = true} : memref<8192xf32, #tpu.memory_space<vmem>>[vector<16xi32>], vector<16xf32>, vector<16xi1>
    %eq3A_219 = arith.constant 2 : i32
    %eq3A_220 = vector.broadcast %eq3A_219 : i32 to vector<16xi32>
    %eq3A_221 = arith.cmpi eq, %iota3A, %eq3A_220 : vector<16xi32>
    tpu.vector_store_idx %arg8[%get3A_212], %broadcast_in_dim3A_12 masked %eq3A_221 {add = true} : memref<8192xf32, #tpu.memory_space<vmem>>[vector<16xi32>], vector<16xf32>, vector<16xi1>
    %eq3A_222 = arith.constant 3 : i32
    %eq3A_223 = vector.broadcast %eq3A_222 : i32 to vector<16xi32>
    %eq3A_224 = arith.cmpi eq, %iota3A, %eq3A_223 : vector<16xi32>
    tpu.vector_store_idx %arg8[%get3A_212], %broadcast_in_dim3A_12 masked %eq3A_224 {add = true} : memref<8192xf32, #tpu.memory_space<vmem>>[vector<16xi32>], vector<16xf32>, vector<16xi1>
    %eq3A_225 = arith.constant 4 : i32
    %eq3A_226 = vector.broadcast %eq3A_225 : i32 to vector<16xi32>
    %eq3A_227 = arith.cmpi eq, %iota3A, %eq3A_226 : vector<16xi32>
    tpu.vector_store_idx %arg8[%get3A_212], %broadcast_in_dim3A_12 masked %eq3A_227 {add = true} : memref<8192xf32, #tpu.memory_space<vmem>>[vector<16xi32>], vector<16xf32>, vector<16xi1>
    %eq3A_228 = arith.constant 5 : i32
    %eq3A_229 = vector.broadcast %eq3A_228 : i32 to vector<16xi32>
    %eq3A_230 = arith.cmpi eq, %iota3A, %eq3A_229 : vector<16xi32>
    tpu.vector_store_idx %arg8[%get3A_212], %broadcast_in_dim3A_12 masked %eq3A_230 {add = true} : memref<8192xf32, #tpu.memory_space<vmem>>[vector<16xi32>], vector<16xf32>, vector<16xi1>
    %eq3A_231 = arith.constant 6 : i32
    %eq3A_232 = vector.broadcast %eq3A_231 : i32 to vector<16xi32>
    %eq3A_233 = arith.cmpi eq, %iota3A, %eq3A_232 : vector<16xi32>
    tpu.vector_store_idx %arg8[%get3A_212], %broadcast_in_dim3A_12 masked %eq3A_233 {add = true} : memref<8192xf32, #tpu.memory_space<vmem>>[vector<16xi32>], vector<16xf32>, vector<16xi1>
    %eq3A_234 = arith.constant 7 : i32
    %eq3A_235 = vector.broadcast %eq3A_234 : i32 to vector<16xi32>
    %eq3A_236 = arith.cmpi eq, %iota3A, %eq3A_235 : vector<16xi32>
    tpu.vector_store_idx %arg8[%get3A_212], %broadcast_in_dim3A_12 masked %eq3A_236 {add = true} : memref<8192xf32, #tpu.memory_space<vmem>>[vector<16xi32>], vector<16xf32>, vector<16xi1>
    %eq3A_237 = arith.constant 8 : i32
    %eq3A_238 = vector.broadcast %eq3A_237 : i32 to vector<16xi32>
    %eq3A_239 = arith.cmpi eq, %iota3A, %eq3A_238 : vector<16xi32>
    tpu.vector_store_idx %arg8[%get3A_212], %broadcast_in_dim3A_12 masked %eq3A_239 {add = true} : memref<8192xf32, #tpu.memory_space<vmem>>[vector<16xi32>], vector<16xf32>, vector<16xi1>
    %eq3A_240 = arith.constant 9 : i32
    %eq3A_241 = vector.broadcast %eq3A_240 : i32 to vector<16xi32>
    %eq3A_242 = arith.cmpi eq, %iota3A, %eq3A_241 : vector<16xi32>
    tpu.vector_store_idx %arg8[%get3A_212], %broadcast_in_dim3A_12 masked %eq3A_242 {add = true} : memref<8192xf32, #tpu.memory_space<vmem>>[vector<16xi32>], vector<16xf32>, vector<16xi1>
    %eq3A_243 = arith.constant 10 : i32
    %eq3A_244 = vector.broadcast %eq3A_243 : i32 to vector<16xi32>
    %eq3A_245 = arith.cmpi eq, %iota3A, %eq3A_244 : vector<16xi32>
    tpu.vector_store_idx %arg8[%get3A_212], %broadcast_in_dim3A_12 masked %eq3A_245 {add = true} : memref<8192xf32, #tpu.memory_space<vmem>>[vector<16xi32>], vector<16xf32>, vector<16xi1>
    %eq3A_246 = arith.constant 11 : i32
    %eq3A_247 = vector.broadcast %eq3A_246 : i32 to vector<16xi32>
    %eq3A_248 = arith.cmpi eq, %iota3A, %eq3A_247 : vector<16xi32>
    tpu.vector_store_idx %arg8[%get3A_212], %broadcast_in_dim3A_12 masked %eq3A_248 {add = true} : memref<8192xf32, #tpu.memory_space<vmem>>[vector<16xi32>], vector<16xf32>, vector<16xi1>
    %eq3A_249 = arith.constant 12 : i32
    %eq3A_250 = vector.broadcast %eq3A_249 : i32 to vector<16xi32>
    %eq3A_251 = arith.cmpi eq, %iota3A, %eq3A_250 : vector<16xi32>
    tpu.vector_store_idx %arg8[%get3A_212], %broadcast_in_dim3A_12 masked %eq3A_251 {add = true} : memref<8192xf32, #tpu.memory_space<vmem>>[vector<16xi32>], vector<16xf32>, vector<16xi1>
    %eq3A_252 = arith.constant 13 : i32
    %eq3A_253 = vector.broadcast %eq3A_252 : i32 to vector<16xi32>
    %eq3A_254 = arith.cmpi eq, %iota3A, %eq3A_253 : vector<16xi32>
    tpu.vector_store_idx %arg8[%get3A_212], %broadcast_in_dim3A_12 masked %eq3A_254 {add = true} : memref<8192xf32, #tpu.memory_space<vmem>>[vector<16xi32>], vector<16xf32>, vector<16xi1>
    %eq3A_255 = arith.constant 14 : i32
    %eq3A_256 = vector.broadcast %eq3A_255 : i32 to vector<16xi32>
    %eq3A_257 = arith.cmpi eq, %iota3A, %eq3A_256 : vector<16xi32>
    tpu.vector_store_idx %arg8[%get3A_212], %broadcast_in_dim3A_12 masked %eq3A_257 {add = true} : memref<8192xf32, #tpu.memory_space<vmem>>[vector<16xi32>], vector<16xf32>, vector<16xi1>
    %eq3A_258 = arith.constant 15 : i32
    %eq3A_259 = vector.broadcast %eq3A_258 : i32 to vector<16xi32>
    %eq3A_260 = arith.cmpi eq, %iota3A, %eq3A_259 : vector<16xi32>
    tpu.vector_store_idx %arg8[%get3A_212], %broadcast_in_dim3A_12 masked %eq3A_260 {add = true} : memref<8192xf32, #tpu.memory_space<vmem>>[vector<16xi32>], vector<16xf32>, vector<16xi1>
    %get3A_261 = arith.constant 80 : index
    %get3A_262 = tpu.vector_load %arg6[%get3A_261] {strides = array<i32>} : memref<128xi32, #tpu.memory_space<vmem>>, vector<16xi32>,
    %eq3A_263 = arith.constant 0 : i32
    %eq3A_264 = vector.broadcast %eq3A_263 : i32 to vector<16xi32>
    %eq3A_265 = arith.cmpi eq, %iota3A, %eq3A_264 : vector<16xi32>
    tpu.vector_store_idx %arg8[%get3A_262], %broadcast_in_dim3A_12 masked %eq3A_265 {add = true} : memref<8192xf32, #tpu.memory_space<vmem>>[vector<16xi32>], vector<16xf32>, vector<16xi1>
    %eq3A_266 = arith.constant 1 : i32
    %eq3A_267 = vector.broadcast %eq3A_266 : i32 to vector<16xi32>
    %eq3A_268 = arith.cmpi eq, %iota3A, %eq3A_267 : vector<16xi32>
    tpu.vector_store_idx %arg8[%get3A_262], %broadcast_in_dim3A_12 masked %eq3A_268 {add = true} : memref<8192xf32, #tpu.memory_space<vmem>>[vector<16xi32>], vector<16xf32>, vector<16xi1>
    %eq3A_269 = arith.constant 2 : i32
    %eq3A_270 = vector.broadcast %eq3A_269 : i32 to vector<16xi32>
    %eq3A_271 = arith.cmpi eq, %iota3A, %eq3A_270 : vector<16xi32>
    tpu.vector_store_idx %arg8[%get3A_262], %broadcast_in_dim3A_12 masked %eq3A_271 {add = true} : memref<8192xf32, #tpu.memory_space<vmem>>[vector<16xi32>], vector<16xf32>, vector<16xi1>
    %eq3A_272 = arith.constant 3 : i32
    %eq3A_273 = vector.broadcast %eq3A_272 : i32 to vector<16xi32>
    %eq3A_274 = arith.cmpi eq, %iota3A, %eq3A_273 : vector<16xi32>
    tpu.vector_store_idx %arg8[%get3A_262], %broadcast_in_dim3A_12 masked %eq3A_274 {add = true} : memref<8192xf32, #tpu.memory_space<vmem>>[vector<16xi32>], vector<16xf32>, vector<16xi1>
    %eq3A_275 = arith.constant 4 : i32
    %eq3A_276 = vector.broadcast %eq3A_275 : i32 to vector<16xi32>
    %eq3A_277 = arith.cmpi eq, %iota3A, %eq3A_276 : vector<16xi32>
    tpu.vector_store_idx %arg8[%get3A_262], %broadcast_in_dim3A_12 masked %eq3A_277 {add = true} : memref<8192xf32, #tpu.memory_space<vmem>>[vector<16xi32>], vector<16xf32>, vector<16xi1>
    %eq3A_278 = arith.constant 5 : i32
    %eq3A_279 = vector.broadcast %eq3A_278 : i32 to vector<16xi32>
    %eq3A_280 = arith.cmpi eq, %iota3A, %eq3A_279 : vector<16xi32>
    tpu.vector_store_idx %arg8[%get3A_262], %broadcast_in_dim3A_12 masked %eq3A_280 {add = true} : memref<8192xf32, #tpu.memory_space<vmem>>[vector<16xi32>], vector<16xf32>, vector<16xi1>
    %eq3A_281 = arith.constant 6 : i32
    %eq3A_282 = vector.broadcast %eq3A_281 : i32 to vector<16xi32>
    %eq3A_283 = arith.cmpi eq, %iota3A, %eq3A_282 : vector<16xi32>
    tpu.vector_store_idx %arg8[%get3A_262], %broadcast_in_dim3A_12 masked %eq3A_283 {add = true} : memref<8192xf32, #tpu.memory_space<vmem>>[vector<16xi32>], vector<16xf32>, vector<16xi1>
    %eq3A_284 = arith.constant 7 : i32
    %eq3A_285 = vector.broadcast %eq3A_284 : i32 to vector<16xi32>
    %eq3A_286 = arith.cmpi eq, %iota3A, %eq3A_285 : vector<16xi32>
    tpu.vector_store_idx %arg8[%get3A_262], %broadcast_in_dim3A_12 masked %eq3A_286 {add = true} : memref<8192xf32, #tpu.memory_space<vmem>>[vector<16xi32>], vector<16xf32>, vector<16xi1>
    %eq3A_287 = arith.constant 8 : i32
    %eq3A_288 = vector.broadcast %eq3A_287 : i32 to vector<16xi32>
    %eq3A_289 = arith.cmpi eq, %iota3A, %eq3A_288 : vector<16xi32>
    tpu.vector_store_idx %arg8[%get3A_262], %broadcast_in_dim3A_12 masked %eq3A_289 {add = true} : memref<8192xf32, #tpu.memory_space<vmem>>[vector<16xi32>], vector<16xf32>, vector<16xi1>
    %eq3A_290 = arith.constant 9 : i32
    %eq3A_291 = vector.broadcast %eq3A_290 : i32 to vector<16xi32>
    %eq3A_292 = arith.cmpi eq, %iota3A, %eq3A_291 : vector<16xi32>
    tpu.vector_store_idx %arg8[%get3A_262], %broadcast_in_dim3A_12 masked %eq3A_292 {add = true} : memref<8192xf32, #tpu.memory_space<vmem>>[vector<16xi32>], vector<16xf32>, vector<16xi1>
    %eq3A_293 = arith.constant 10 : i32
    %eq3A_294 = vector.broadcast %eq3A_293 : i32 to vector<16xi32>
    %eq3A_295 = arith.cmpi eq, %iota3A, %eq3A_294 : vector<16xi32>
    tpu.vector_store_idx %arg8[%get3A_262], %broadcast_in_dim3A_12 masked %eq3A_295 {add = true} : memref<8192xf32, #tpu.memory_space<vmem>>[vector<16xi32>], vector<16xf32>, vector<16xi1>
    %eq3A_296 = arith.constant 11 : i32
    %eq3A_297 = vector.broadcast %eq3A_296 : i32 to vector<16xi32>
    %eq3A_298 = arith.cmpi eq, %iota3A, %eq3A_297 : vector<16xi32>
    tpu.vector_store_idx %arg8[%get3A_262], %broadcast_in_dim3A_12 masked %eq3A_298 {add = true} : memref<8192xf32, #tpu.memory_space<vmem>>[vector<16xi32>], vector<16xf32>, vector<16xi1>
    %eq3A_299 = arith.constant 12 : i32
    %eq3A_300 = vector.broadcast %eq3A_299 : i32 to vector<16xi32>
    %eq3A_301 = arith.cmpi eq, %iota3A, %eq3A_300 : vector<16xi32>
    tpu.vector_store_idx %arg8[%get3A_262], %broadcast_in_dim3A_12 masked %eq3A_301 {add = true} : memref<8192xf32, #tpu.memory_space<vmem>>[vector<16xi32>], vector<16xf32>, vector<16xi1>
    %eq3A_302 = arith.constant 13 : i32
    %eq3A_303 = vector.broadcast %eq3A_302 : i32 to vector<16xi32>
    %eq3A_304 = arith.cmpi eq, %iota3A, %eq3A_303 : vector<16xi32>
    tpu.vector_store_idx %arg8[%get3A_262], %broadcast_in_dim3A_12 masked %eq3A_304 {add = true} : memref<8192xf32, #tpu.memory_space<vmem>>[vector<16xi32>], vector<16xf32>, vector<16xi1>
    %eq3A_305 = arith.constant 14 : i32
    %eq3A_306 = vector.broadcast %eq3A_305 : i32 to vector<16xi32>
    %eq3A_307 = arith.cmpi eq, %iota3A, %eq3A_306 : vector<16xi32>
    tpu.vector_store_idx %arg8[%get3A_262], %broadcast_in_dim3A_12 masked %eq3A_307 {add = true} : memref<8192xf32, #tpu.memory_space<vmem>>[vector<16xi32>], vector<16xf32>, vector<16xi1>
    %eq3A_308 = arith.constant 15 : i32
    %eq3A_309 = vector.broadcast %eq3A_308 : i32 to vector<16xi32>
    %eq3A_310 = arith.cmpi eq, %iota3A, %eq3A_309 : vector<16xi32>
    tpu.vector_store_idx %arg8[%get3A_262], %broadcast_in_dim3A_12 masked %eq3A_310 {add = true} : memref<8192xf32, #tpu.memory_space<vmem>>[vector<16xi32>], vector<16xf32>, vector<16xi1>
    %get3A_311 = arith.constant 96 : index
    %get3A_312 = tpu.vector_load %arg6[%get3A_311] {strides = array<i32>} : memref<128xi32, #tpu.memory_space<vmem>>, vector<16xi32>,
    %eq3A_313 = arith.constant 0 : i32
    %eq3A_314 = vector.broadcast %eq3A_313 : i32 to vector<16xi32>
    %eq3A_315 = arith.cmpi eq, %iota3A, %eq3A_314 : vector<16xi32>
    tpu.vector_store_idx %arg8[%get3A_312], %broadcast_in_dim3A_12 masked %eq3A_315 {add = true} : memref<8192xf32, #tpu.memory_space<vmem>>[vector<16xi32>], vector<16xf32>, vector<16xi1>
    %eq3A_316 = arith.constant 1 : i32
    %eq3A_317 = vector.broadcast %eq3A_316 : i32 to vector<16xi32>
    %eq3A_318 = arith.cmpi eq, %iota3A, %eq3A_317 : vector<16xi32>
    tpu.vector_store_idx %arg8[%get3A_312], %broadcast_in_dim3A_12 masked %eq3A_318 {add = true} : memref<8192xf32, #tpu.memory_space<vmem>>[vector<16xi32>], vector<16xf32>, vector<16xi1>
    %eq3A_319 = arith.constant 2 : i32
    %eq3A_320 = vector.broadcast %eq3A_319 : i32 to vector<16xi32>
    %eq3A_321 = arith.cmpi eq, %iota3A, %eq3A_320 : vector<16xi32>
    tpu.vector_store_idx %arg8[%get3A_312], %broadcast_in_dim3A_12 masked %eq3A_321 {add = true} : memref<8192xf32, #tpu.memory_space<vmem>>[vector<16xi32>], vector<16xf32>, vector<16xi1>
    %eq3A_322 = arith.constant 3 : i32
    %eq3A_323 = vector.broadcast %eq3A_322 : i32 to vector<16xi32>
    %eq3A_324 = arith.cmpi eq, %iota3A, %eq3A_323 : vector<16xi32>
    tpu.vector_store_idx %arg8[%get3A_312], %broadcast_in_dim3A_12 masked %eq3A_324 {add = true} : memref<8192xf32, #tpu.memory_space<vmem>>[vector<16xi32>], vector<16xf32>, vector<16xi1>
    %eq3A_325 = arith.constant 4 : i32
    %eq3A_326 = vector.broadcast %eq3A_325 : i32 to vector<16xi32>
    %eq3A_327 = arith.cmpi eq, %iota3A, %eq3A_326 : vector<16xi32>
    tpu.vector_store_idx %arg8[%get3A_312], %broadcast_in_dim3A_12 masked %eq3A_327 {add = true} : memref<8192xf32, #tpu.memory_space<vmem>>[vector<16xi32>], vector<16xf32>, vector<16xi1>
    %eq3A_328 = arith.constant 5 : i32
    %eq3A_329 = vector.broadcast %eq3A_328 : i32 to vector<16xi32>
    %eq3A_330 = arith.cmpi eq, %iota3A, %eq3A_329 : vector<16xi32>
    tpu.vector_store_idx %arg8[%get3A_312], %broadcast_in_dim3A_12 masked %eq3A_330 {add = true} : memref<8192xf32, #tpu.memory_space<vmem>>[vector<16xi32>], vector<16xf32>, vector<16xi1>
    %eq3A_331 = arith.constant 6 : i32
    %eq3A_332 = vector.broadcast %eq3A_331 : i32 to vector<16xi32>
    %eq3A_333 = arith.cmpi eq, %iota3A, %eq3A_332 : vector<16xi32>
    tpu.vector_store_idx %arg8[%get3A_312], %broadcast_in_dim3A_12 masked %eq3A_333 {add = true} : memref<8192xf32, #tpu.memory_space<vmem>>[vector<16xi32>], vector<16xf32>, vector<16xi1>
    %eq3A_334 = arith.constant 7 : i32
    %eq3A_335 = vector.broadcast %eq3A_334 : i32 to vector<16xi32>
    %eq3A_336 = arith.cmpi eq, %iota3A, %eq3A_335 : vector<16xi32>
    tpu.vector_store_idx %arg8[%get3A_312], %broadcast_in_dim3A_12 masked %eq3A_336 {add = true} : memref<8192xf32, #tpu.memory_space<vmem>>[vector<16xi32>], vector<16xf32>, vector<16xi1>
    %eq3A_337 = arith.constant 8 : i32
    %eq3A_338 = vector.broadcast %eq3A_337 : i32 to vector<16xi32>
    %eq3A_339 = arith.cmpi eq, %iota3A, %eq3A_338 : vector<16xi32>
    tpu.vector_store_idx %arg8[%get3A_312], %broadcast_in_dim3A_12 masked %eq3A_339 {add = true} : memref<8192xf32, #tpu.memory_space<vmem>>[vector<16xi32>], vector<16xf32>, vector<16xi1>
    %eq3A_340 = arith.constant 9 : i32
    %eq3A_341 = vector.broadcast %eq3A_340 : i32 to vector<16xi32>
    %eq3A_342 = arith.cmpi eq, %iota3A, %eq3A_341 : vector<16xi32>
    tpu.vector_store_idx %arg8[%get3A_312], %broadcast_in_dim3A_12 masked %eq3A_342 {add = true} : memref<8192xf32, #tpu.memory_space<vmem>>[vector<16xi32>], vector<16xf32>, vector<16xi1>
    %eq3A_343 = arith.constant 10 : i32
    %eq3A_344 = vector.broadcast %eq3A_343 : i32 to vector<16xi32>
    %eq3A_345 = arith.cmpi eq, %iota3A, %eq3A_344 : vector<16xi32>
    tpu.vector_store_idx %arg8[%get3A_312], %broadcast_in_dim3A_12 masked %eq3A_345 {add = true} : memref<8192xf32, #tpu.memory_space<vmem>>[vector<16xi32>], vector<16xf32>, vector<16xi1>
    %eq3A_346 = arith.constant 11 : i32
    %eq3A_347 = vector.broadcast %eq3A_346 : i32 to vector<16xi32>
    %eq3A_348 = arith.cmpi eq, %iota3A, %eq3A_347 : vector<16xi32>
    tpu.vector_store_idx %arg8[%get3A_312], %broadcast_in_dim3A_12 masked %eq3A_348 {add = true} : memref<8192xf32, #tpu.memory_space<vmem>>[vector<16xi32>], vector<16xf32>, vector<16xi1>
    %eq3A_349 = arith.constant 12 : i32
    %eq3A_350 = vector.broadcast %eq3A_349 : i32 to vector<16xi32>
    %eq3A_351 = arith.cmpi eq, %iota3A, %eq3A_350 : vector<16xi32>
    tpu.vector_store_idx %arg8[%get3A_312], %broadcast_in_dim3A_12 masked %eq3A_351 {add = true} : memref<8192xf32, #tpu.memory_space<vmem>>[vector<16xi32>], vector<16xf32>, vector<16xi1>
    %eq3A_352 = arith.constant 13 : i32
    %eq3A_353 = vector.broadcast %eq3A_352 : i32 to vector<16xi32>
    %eq3A_354 = arith.cmpi eq, %iota3A, %eq3A_353 : vector<16xi32>
    tpu.vector_store_idx %arg8[%get3A_312], %broadcast_in_dim3A_12 masked %eq3A_354 {add = true} : memref<8192xf32, #tpu.memory_space<vmem>>[vector<16xi32>], vector<16xf32>, vector<16xi1>
    %eq3A_355 = arith.constant 14 : i32
    %eq3A_356 = vector.broadcast %eq3A_355 : i32 to vector<16xi32>
    %eq3A_357 = arith.cmpi eq, %iota3A, %eq3A_356 : vector<16xi32>
    tpu.vector_store_idx %arg8[%get3A_312], %broadcast_in_dim3A_12 masked %eq3A_357 {add = true} : memref<8192xf32, #tpu.memory_space<vmem>>[vector<16xi32>], vector<16xf32>, vector<16xi1>
    %eq3A_358 = arith.constant 15 : i32
    %eq3A_359 = vector.broadcast %eq3A_358 : i32 to vector<16xi32>
    %eq3A_360 = arith.cmpi eq, %iota3A, %eq3A_359 : vector<16xi32>
    tpu.vector_store_idx %arg8[%get3A_312], %broadcast_in_dim3A_12 masked %eq3A_360 {add = true} : memref<8192xf32, #tpu.memory_space<vmem>>[vector<16xi32>], vector<16xf32>, vector<16xi1>
    %get3A_361 = arith.constant 112 : index
    %get3A_362 = tpu.vector_load %arg6[%get3A_361] {strides = array<i32>} : memref<128xi32, #tpu.memory_space<vmem>>, vector<16xi32>,
    %eq3A_363 = arith.constant 0 : i32
    %eq3A_364 = vector.broadcast %eq3A_363 : i32 to vector<16xi32>
    %eq3A_365 = arith.cmpi eq, %iota3A, %eq3A_364 : vector<16xi32>
    tpu.vector_store_idx %arg8[%get3A_362], %broadcast_in_dim3A_12 masked %eq3A_365 {add = true} : memref<8192xf32, #tpu.memory_space<vmem>>[vector<16xi32>], vector<16xf32>, vector<16xi1>
    %eq3A_366 = arith.constant 1 : i32
    %eq3A_367 = vector.broadcast %eq3A_366 : i32 to vector<16xi32>
    %eq3A_368 = arith.cmpi eq, %iota3A, %eq3A_367 : vector<16xi32>
    tpu.vector_store_idx %arg8[%get3A_362], %broadcast_in_dim3A_12 masked %eq3A_368 {add = true} : memref<8192xf32, #tpu.memory_space<vmem>>[vector<16xi32>], vector<16xf32>, vector<16xi1>
    %eq3A_369 = arith.constant 2 : i32
    %eq3A_370 = vector.broadcast %eq3A_369 : i32 to vector<16xi32>
    %eq3A_371 = arith.cmpi eq, %iota3A, %eq3A_370 : vector<16xi32>
    tpu.vector_store_idx %arg8[%get3A_362], %broadcast_in_dim3A_12 masked %eq3A_371 {add = true} : memref<8192xf32, #tpu.memory_space<vmem>>[vector<16xi32>], vector<16xf32>, vector<16xi1>
    %eq3A_372 = arith.constant 3 : i32
    %eq3A_373 = vector.broadcast %eq3A_372 : i32 to vector<16xi32>
    %eq3A_374 = arith.cmpi eq, %iota3A, %eq3A_373 : vector<16xi32>
    tpu.vector_store_idx %arg8[%get3A_362], %broadcast_in_dim3A_12 masked %eq3A_374 {add = true} : memref<8192xf32, #tpu.memory_space<vmem>>[vector<16xi32>], vector<16xf32>, vector<16xi1>
    %eq3A_375 = arith.constant 4 : i32
    %eq3A_376 = vector.broadcast %eq3A_375 : i32 to vector<16xi32>
    %eq3A_377 = arith.cmpi eq, %iota3A, %eq3A_376 : vector<16xi32>
    tpu.vector_store_idx %arg8[%get3A_362], %broadcast_in_dim3A_12 masked %eq3A_377 {add = true} : memref<8192xf32, #tpu.memory_space<vmem>>[vector<16xi32>], vector<16xf32>, vector<16xi1>
    %eq3A_378 = arith.constant 5 : i32
    %eq3A_379 = vector.broadcast %eq3A_378 : i32 to vector<16xi32>
    %eq3A_380 = arith.cmpi eq, %iota3A, %eq3A_379 : vector<16xi32>
    tpu.vector_store_idx %arg8[%get3A_362], %broadcast_in_dim3A_12 masked %eq3A_380 {add = true} : memref<8192xf32, #tpu.memory_space<vmem>>[vector<16xi32>], vector<16xf32>, vector<16xi1>
    %eq3A_381 = arith.constant 6 : i32
    %eq3A_382 = vector.broadcast %eq3A_381 : i32 to vector<16xi32>
    %eq3A_383 = arith.cmpi eq, %iota3A, %eq3A_382 : vector<16xi32>
    tpu.vector_store_idx %arg8[%get3A_362], %broadcast_in_dim3A_12 masked %eq3A_383 {add = true} : memref<8192xf32, #tpu.memory_space<vmem>>[vector<16xi32>], vector<16xf32>, vector<16xi1>
    %eq3A_384 = arith.constant 7 : i32
    %eq3A_385 = vector.broadcast %eq3A_384 : i32 to vector<16xi32>
    %eq3A_386 = arith.cmpi eq, %iota3A, %eq3A_385 : vector<16xi32>
    tpu.vector_store_idx %arg8[%get3A_362], %broadcast_in_dim3A_12 masked %eq3A_386 {add = true} : memref<8192xf32, #tpu.memory_space<vmem>>[vector<16xi32>], vector<16xf32>, vector<16xi1>
    %eq3A_387 = arith.constant 8 : i32
    %eq3A_388 = vector.broadcast %eq3A_387 : i32 to vector<16xi32>
    %eq3A_389 = arith.cmpi eq, %iota3A, %eq3A_388 : vector<16xi32>
    tpu.vector_store_idx %arg8[%get3A_362], %broadcast_in_dim3A_12 masked %eq3A_389 {add = true} : memref<8192xf32, #tpu.memory_space<vmem>>[vector<16xi32>], vector<16xf32>, vector<16xi1>
    %eq3A_390 = arith.constant 9 : i32
    %eq3A_391 = vector.broadcast %eq3A_390 : i32 to vector<16xi32>
    %eq3A_392 = arith.cmpi eq, %iota3A, %eq3A_391 : vector<16xi32>
    tpu.vector_store_idx %arg8[%get3A_362], %broadcast_in_dim3A_12 masked %eq3A_392 {add = true} : memref<8192xf32, #tpu.memory_space<vmem>>[vector<16xi32>], vector<16xf32>, vector<16xi1>
    %eq3A_393 = arith.constant 10 : i32
    %eq3A_394 = vector.broadcast %eq3A_393 : i32 to vector<16xi32>
    %eq3A_395 = arith.cmpi eq, %iota3A, %eq3A_394 : vector<16xi32>
    tpu.vector_store_idx %arg8[%get3A_362], %broadcast_in_dim3A_12 masked %eq3A_395 {add = true} : memref<8192xf32, #tpu.memory_space<vmem>>[vector<16xi32>], vector<16xf32>, vector<16xi1>
    %eq3A_396 = arith.constant 11 : i32
    %eq3A_397 = vector.broadcast %eq3A_396 : i32 to vector<16xi32>
    %eq3A_398 = arith.cmpi eq, %iota3A, %eq3A_397 : vector<16xi32>
    tpu.vector_store_idx %arg8[%get3A_362], %broadcast_in_dim3A_12 masked %eq3A_398 {add = true} : memref<8192xf32, #tpu.memory_space<vmem>>[vector<16xi32>], vector<16xf32>, vector<16xi1>
    %eq3A_399 = arith.constant 12 : i32
    %eq3A_400 = vector.broadcast %eq3A_399 : i32 to vector<16xi32>
    %eq3A_401 = arith.cmpi eq, %iota3A, %eq3A_400 : vector<16xi32>
    tpu.vector_store_idx %arg8[%get3A_362], %broadcast_in_dim3A_12 masked %eq3A_401 {add = true} : memref<8192xf32, #tpu.memory_space<vmem>>[vector<16xi32>], vector<16xf32>, vector<16xi1>
    %eq3A_402 = arith.constant 13 : i32
    %eq3A_403 = vector.broadcast %eq3A_402 : i32 to vector<16xi32>
    %eq3A_404 = arith.cmpi eq, %iota3A, %eq3A_403 : vector<16xi32>
    tpu.vector_store_idx %arg8[%get3A_362], %broadcast_in_dim3A_12 masked %eq3A_404 {add = true} : memref<8192xf32, #tpu.memory_space<vmem>>[vector<16xi32>], vector<16xf32>, vector<16xi1>
    %eq3A_405 = arith.constant 14 : i32
    %eq3A_406 = vector.broadcast %eq3A_405 : i32 to vector<16xi32>
    %eq3A_407 = arith.cmpi eq, %iota3A, %eq3A_406 : vector<16xi32>
    tpu.vector_store_idx %arg8[%get3A_362], %broadcast_in_dim3A_12 masked %eq3A_407 {add = true} : memref<8192xf32, #tpu.memory_space<vmem>>[vector<16xi32>], vector<16xf32>, vector<16xi1>
    %eq3A_408 = arith.constant 15 : i32
    %eq3A_409 = vector.broadcast %eq3A_408 : i32 to vector<16xi32>
    %eq3A_410 = arith.cmpi eq, %iota3A, %eq3A_409 : vector<16xi32>
    tpu.vector_store_idx %arg8[%get3A_362], %broadcast_in_dim3A_12 masked %eq3A_410 {add = true} : memref<8192xf32, #tpu.memory_space<vmem>>[vector<16xi32>], vector<16xf32>, vector<16xi1>
    %dma_wait3A = arith.constant 0 : i32
    %dma_wait3A_411 = arith.constant 0 : i32
    %dma_wait3A_412 = tpu.memref_slice %arg2[%dma_wait3A, %dma_wait3A_411] : memref<8192x256xf32, #tpu.memory_space<hbm>> -> memref<8192x256xf32, #tpu.memory_space<hbm>>
    tpu.wait_indirect_dma semaphore(%arg9 : memref<!tpu.dma_semaphore, #tpu.memory_space<semaphore_mem>>) src(%dma_wait3A_412 : memref<8192x256xf32, #tpu.memory_space<hbm>>) dst(%arg7 : memref<128x256xf32, #tpu.memory_space<vmem>>)
    "tpu.region"() ({
      %run_scoped3A = tpu.sem_alloc : memref<!tpu.dma_semaphore, #tpu.memory_space<semaphore_mem>>
      %dma_start3A_413 = arith.constant 0 : i32
      %dma_start3A_414 = tpu.memref_slice %arg4[%mul3A_2, %dma_start3A_413] : memref<4096x256xf32, #tpu.memory_space<hbm>> -> memref<128x256xf32, #tpu.memory_space<hbm>>
      %dma_start3A_415 = arith.constant 0 : i32
      %dma_start3A_416 = tpu.memref_slice %arg4[%mul3A_2, %dma_start3A_415] : memref<4096x256xf32, #tpu.memory_space<hbm>> -> memref<128x256xf32, #tpu.memory_space<hbm>>
      tpu.enqueue_dma source(%arg7 : memref<128x256xf32, #tpu.memory_space<vmem>>) target(%dma_start3A_416 : memref<128x256xf32, #tpu.memory_space<hbm>>) target_semaphore(%run_scoped3A : memref<!tpu.dma_semaphore, #tpu.memory_space<semaphore_mem>>)
      %dma_wait3A_417 = arith.constant 0 : i32
      %dma_wait3A_418 = tpu.memref_slice %arg4[%mul3A_2, %dma_wait3A_417] : memref<4096x256xf32, #tpu.memory_space<hbm>> -> memref<128x256xf32, #tpu.memory_space<hbm>>
      %dma_wait3A_419 = arith.constant 0 : i32
      %dma_wait3A_420 = tpu.memref_slice %arg4[%mul3A_2, %dma_wait3A_419] : memref<4096x256xf32, #tpu.memory_space<hbm>> -> memref<128x256xf32, #tpu.memory_space<hbm>>
      tpu.wait_dma2 semaphore(%run_scoped3A : memref<!tpu.dma_semaphore, #tpu.memory_space<semaphore_mem>>) src(%arg7 : memref<128x256xf32, #tpu.memory_space<vmem>>) dst(%dma_wait3A_420 : memref<128x256xf32, #tpu.memory_space<hbm>>)
      tpu.yield
    }) : () -> ()
    "tpu.region"() ({
      %run_scoped3A = tpu.sem_alloc : memref<!tpu.dma_semaphore, #tpu.memory_space<semaphore_mem>>
      %dma_start3A_413 = arith.constant 0 : i32
      %dma_start3A_414 = tpu.memref_slice %arg5[%add3A, %dma_start3A_413] : memref<32x8192xf32, #tpu.memory_space<hbm>> -> memref<1x8192xf32, #tpu.memory_space<hbm>>
      %dma_start3A_415 = tpu.memref_squeeze %dma_start3A_414 : memref<1x8192xf32, #tpu.memory_space<hbm>> -> memref<8192xf32, #tpu.memory_space<hbm>>
      %dma_start3A_416 = arith.constant 0 : i32
      %dma_start3A_417 = tpu.memref_slice %arg5[%add3A, %dma_start3A_416] : memref<32x8192xf32, #tpu.memory_space<hbm>> -> memref<1x8192xf32, #tpu.memory_space<hbm>>
      %dma_start3A_418 = tpu.memref_squeeze %dma_start3A_417 : memref<1x8192xf32, #tpu.memory_space<hbm>> -> memref<8192xf32, #tpu.memory_space<hbm>>
      tpu.enqueue_dma source(%arg8 : memref<8192xf32, #tpu.memory_space<vmem>>) target(%dma_start3A_418 : memref<8192xf32, #tpu.memory_space<hbm>>) target_semaphore(%run_scoped3A : memref<!tpu.dma_semaphore, #tpu.memory_space<semaphore_mem>>)
      %dma_wait3A_419 = arith.constant 0 : i32
      %dma_wait3A_420 = tpu.memref_slice %arg5[%add3A, %dma_wait3A_419] : memref<32x8192xf32, #tpu.memory_space<hbm>> -> memref<1x8192xf32, #tpu.memory_space<hbm>>
      %dma_wait3A_421 = tpu.memref_squeeze %dma_wait3A_420 : memref<1x8192xf32, #tpu.memory_space<hbm>> -> memref<8192xf32, #tpu.memory_space<hbm>>
      %dma_wait3A_422 = arith.constant 0 : i32
      %dma_wait3A_423 = tpu.memref_slice %arg5[%add3A, %dma_wait3A_422] : memref<32x8192xf32, #tpu.memory_space<hbm>> -> memref<1x8192xf32, #tpu.memory_space<hbm>>
      %dma_wait3A_424 = tpu.memref_squeeze %dma_wait3A_423 : memref<1x8192xf32, #tpu.memory_space<hbm>> -> memref<8192xf32, #tpu.memory_space<hbm>>
      tpu.wait_dma2 semaphore(%run_scoped3A : memref<!tpu.dma_semaphore, #tpu.memory_space<semaphore_mem>>) src(%arg8 : memref<8192xf32, #tpu.memory_space<vmem>>) dst(%dma_wait3A_424 : memref<8192xf32, #tpu.memory_space<hbm>>)
      tpu.yield
    }) : () -> ()
    return
  }
}

module attributes {stable_mosaic.version = 14 : i64} {
  func.func @_finalize_body(%arg0: i32, %arg1: memref<256x256xf32, #tpu.memory_space<vmem>>, %arg2: memref<32x8192xf32, #tpu.memory_space<vmem>>, %arg3: memref<1x256x256xf32, #tpu.memory_space<vmem>>, %arg4: memref<1xf32, #tpu.memory_space<smem>>) attributes {dimension_semantics = [#tpu.dimension_semantics<arbitrary>], iteration_bounds = array<i64: 16>, scalar_prefetch = 0 : i64, scratch_operands = 0 : i64, tpu.core_type = #tpu.core_type<tc>, window_params = [{transform_indices = @transform_0, window_bounds = array<i64: 256, 256>}, {pipeline_mode = #tpu.pipeline_mode<synchronous>, transform_indices = @transform_1, window_bounds = array<i64: 32, 8192>}, {transform_indices = @transform_2, window_bounds = array<i64: 1, 256, 256>}, {transform_indices = @transform_3, window_bounds = array<i64: 1>}]} {
    %get3A = arith.constant 0 : index
    %get3A_0 = arith.constant 0 : index
    %get3A_1 = vector.load %arg1[%get3A, %get3A_0] : memref<256x256xf32, #tpu.memory_space<vmem>>, vector<256x256xf32>
    %transpose3A = tpu.transpose %get3A_1, [1, 0] : vector<256x256xf32> -> vector<256x256xf32>
    %swap3A = arith.constant 0 : index
    %swap3A_2 = arith.constant 0 : index
    %swap3A_3 = arith.constant 0 : index
    %swap3A_4 = vector.load %arg3[%swap3A, %swap3A_2, %swap3A_3] : memref<1x256x256xf32, #tpu.memory_space<vmem>>, vector<1x256x256xf32>
    %swap3A_5 = vector.shape_cast %swap3A_4 : vector<1x256x256xf32> to vector<256x256xf32>
    %swap3A_6 = vector.shape_cast %transpose3A : vector<256x256xf32> to vector<1x256x256xf32>
    tpu.vector_store %arg3[%swap3A, %swap3A_2, %swap3A_3], %swap3A_6 {strides = array<i32>} : memref<1x256x256xf32, #tpu.memory_space<vmem>>, vector<1x256x256xf32>,
    %eq3A = arith.constant 0 : i32
    %eq3A_7 = arith.cmpi eq, %arg0, %eq3A : i32
    %convert_element_type3A = arith.extui %eq3A_7 : i1 to i32
    %cond3A = arith.constant 0 : i32
    %cond3A_8 = arith.cmpi ne, %convert_element_type3A, %cond3A : i32
    scf.if %cond3A_8 {
      %get3A_9 = arith.constant 0 : index
      %get3A_10 = arith.constant 0 : index
      %get3A_11 = vector.load %arg2[%get3A_9, %get3A_10] : memref<32x8192xf32, #tpu.memory_space<vmem>>, vector<32x8192xf32>
      %reduce_sum3A = arith.constant dense<0.000000e+00> : vector<8192xf32>
      %reduce_sum3A_12 = vector.multi_reduction <add>, %get3A_11, %reduce_sum3A [0] : vector<32x8192xf32> to vector<8192xf32>
      %mul3A = arith.constant 2.44140625E-4 : f32
      %mul3A_13 = vector.broadcast %mul3A : f32 to vector<8192xf32>
      %mul3A_14 = arith.mulf %reduce_sum3A_12, %mul3A_13 : vector<8192xf32>
      %add3A = arith.constant 1.000000e-07 : f32
      %add3A_15 = vector.broadcast %add3A : f32 to vector<8192xf32>
      %add3A_16 = arith.addf %mul3A_14, %add3A_15 : vector<8192xf32>
      %log3A = math.log %add3A_16 : vector<8192xf32>
      %mul3A_17 = arith.mulf %mul3A_14, %log3A : vector<8192xf32>
      %reduce_sum3A_18 = vector.shape_cast %mul3A_17 : vector<8192xf32> to vector<1x8192xf32>
      %reduce_sum3A_19 = arith.constant dense<0.000000e+00> : vector<1xf32>
      %reduce_sum3A_20 = vector.multi_reduction <add>, %reduce_sum3A_18, %reduce_sum3A_19 [1] : vector<1x8192xf32> to vector<1xf32>
      %reduce_sum3A_21 = vector.shape_cast %reduce_sum3A_20 : vector<1xf32> to vector<1x1xf32>
      %reduce_sum3A_22 = vector.extract %reduce_sum3A_21[0, 0] : f32 from vector<1x1xf32>
      %neg3A = arith.constant 0.000000e+00 : f32
      %neg3A_23 = arith.subf %neg3A, %reduce_sum3A_22 : f32
      %exp3A = math.exp %neg3A_23 : f32
      %swap3A_24 = arith.constant 0 : index
      %swap3A_25 = memref.load %arg4[%swap3A_24] : memref<1xf32, #tpu.memory_space<smem>>
      memref.store %exp3A, %arg4[%swap3A_24] : memref<1xf32, #tpu.memory_space<smem>>
    } else {
    }
    return
  }
  func.func @transform_0(%arg0: i32) -> (i32, i32) {
    %c0_i32 = arith.constant 0 : i32
    %c0_i32_0 = arith.constant 0 : i32
    return %arg0, %c0_i32 : i32, i32
  }
  func.func @transform_1(%arg0: i32) -> (i32, i32) {
    %c0_i32 = arith.constant 0 : i32
    %c0_i32_0 = arith.constant 0 : i32
    %c0_i32_1 = arith.constant 0 : i32
    return %c0_i32, %c0_i32_0 : i32, i32
  }
  func.func @transform_2(%arg0: i32) -> (i32, i32, i32) {
    %c0_i32 = arith.constant 0 : i32
    %c0_i32_0 = arith.constant 0 : i32
    %c0_i32_1 = arith.constant 0 : i32
    return %arg0, %c0_i32, %c0_i32_0 : i32, i32, i32
  }
  func.func @transform_3(%arg0: i32) -> i32 {
    %c0_i32 = arith.constant 0 : i32
    %c0_i32_0 = arith.constant 0 : i32
    return %c0_i32 : i32
  }
}

module attributes {stable_mosaic.version = 14 : i64} {
  func.func @_dist_argmax_body(%arg0: i32, %arg1: i32, %arg2: memref<4x256x256xf32, #tpu.memory_space<vmem>>, %arg3: memref<2048x256xf32, #tpu.memory_space<vmem>>, %arg4: memref<1024xi32, #tpu.memory_space<vmem>>, %arg5: memref<1xf32, #tpu.memory_space<smem>>, %arg6: memref<8192x1xf32, #tpu.memory_space<vmem>>, %arg7: memref<1x1024xf32, #tpu.memory_space<vmem>>, %arg8: memref<4x256x256xf32, #tpu.memory_space<vmem>>, %arg9: memref<2048x1xf32, #tpu.memory_space<vmem>>, %arg10: memref<1024xf32, #tpu.memory_space<vmem>>, %arg11: memref<1024xi32, #tpu.memory_space<vmem>>) attributes {dimension_semantics = [#tpu.dimension_semantics<arbitrary>, #tpu.dimension_semantics<arbitrary>], iteration_bounds = array<i64: 4, 4>, scalar_prefetch = 0 : i64, scratch_operands = 6 : i64, tpu.core_type = #tpu.core_type<tc>, window_params = [{transform_indices = @transform_0, window_bounds = array<i64: 4, 256, 256>}, {transform_indices = @transform_1, window_bounds = array<i64: 2048, 256>}, {transform_indices = @transform_2, window_bounds = array<i64: 1024>}, {transform_indices = @transform_3, window_bounds = array<i64: 1>}]} {
    %eq3A = arith.constant 0 : i32
    %eq3A_0 = arith.cmpi eq, %arg0, %eq3A : i32
    %convert_element_type3A = arith.extui %eq3A_0 : i1 to i32
    %cond3A = arith.constant 0 : i32
    %cond3A_1 = arith.cmpi ne, %convert_element_type3A, %cond3A : i32
    scf.if %cond3A_1 {
      %get3A_77 = arith.constant 0 : index
      %get3A_78 = arith.constant 0 : index
      %get3A_79 = vector.load %arg3[%get3A_77, %get3A_78] : memref<2048x256xf32, #tpu.memory_space<vmem>>, vector<2048x256xf32>
      %mul3A_80 = arith.mulf %get3A_79, %get3A_79 : vector<2048x256xf32>
      %reduce_sum3A = arith.constant dense<0.000000e+00> : vector<2048xf32>
      %reduce_sum3A_81 = vector.multi_reduction <add>, %mul3A_80, %reduce_sum3A [1] : vector<2048x256xf32> to vector<2048xf32>
      %broadcast_in_dim3A_82 = vector.shape_cast %reduce_sum3A_81 : vector<2048xf32> to vector<2048x1xf32>
      %mul3A_83 = arith.constant 2048 : i32
      %mul3A_84 = arith.muli %arg1, %mul3A_83 : i32
      %swap3A_85 = arith.index_cast %mul3A_84 : i32 to index
      %swap3A_86 = arith.constant 0 : index
      %swap3A_87 = vector.load %arg6[%swap3A_85, %swap3A_86] : memref<8192x1xf32, #tpu.memory_space<vmem>>, vector<2048x1xf32>
      tpu.vector_store %arg6[%swap3A_85, %swap3A_86], %broadcast_in_dim3A_82 {strides = array<i32>} : memref<8192x1xf32, #tpu.memory_space<vmem>>, vector<2048x1xf32>,
    } else {
    }
    %eq3A_2 = arith.constant 0 : i32
    %eq3A_3 = arith.cmpi eq, %arg1, %eq3A_2 : i32
    %convert_element_type3A_4 = arith.extui %eq3A_3 : i1 to i32
    %cond3A_5 = arith.constant 0 : i32
    %cond3A_6 = arith.cmpi ne, %convert_element_type3A_4, %cond3A_5 : i32
    scf.if %cond3A_6 {
      %get3A_77 = arith.constant 0 : index
      %get3A_78 = arith.constant 0 : index
      %get3A_79 = arith.constant 0 : index
      %get3A_80 = vector.load %arg2[%get3A_77, %get3A_78, %get3A_79] : memref<4x256x256xf32, #tpu.memory_space<vmem>>, vector<1x256x256xf32>
      %get3A_81 = vector.shape_cast %get3A_80 : vector<1x256x256xf32> to vector<256x256xf32>
      %get3A_82 = arith.constant 0 : index
      %get3A_83 = arith.constant 0 : index
      %get3A_84 = arith.constant 0 : index
      %get3A_85 = vector.load %arg2[%get3A_82, %get3A_83, %get3A_84] : memref<4x256x256xf32, #tpu.memory_space<vmem>>, vector<1x256x256xf32>
      %get3A_86 = vector.shape_cast %get3A_85 : vector<1x256x256xf32> to vector<256x256xf32>
      %mul3A_87 = arith.mulf %get3A_81, %get3A_86 : vector<256x256xf32>
      %reduce_sum3A = arith.constant dense<0.000000e+00> : vector<256xf32>
      %reduce_sum3A_88 = vector.multi_reduction <add>, %mul3A_87, %reduce_sum3A [0] : vector<256x256xf32> to vector<256xf32>
      %broadcast_in_dim3A_89 = vector.shape_cast %reduce_sum3A_88 : vector<256xf32> to vector<1x256xf32>
      %get3A_90 = arith.constant 1 : index
      %get3A_91 = arith.constant 0 : index
      %get3A_92 = arith.constant 0 : index
      %get3A_93 = vector.load %arg2[%get3A_90, %get3A_91, %get3A_92] : memref<4x256x256xf32, #tpu.memory_space<vmem>>, vector<1x256x256xf32>
      %get3A_94 = vector.shape_cast %get3A_93 : vector<1x256x256xf32> to vector<256x256xf32>
      %get3A_95 = arith.constant 1 : index
      %get3A_96 = arith.constant 0 : index
      %get3A_97 = arith.constant 0 : index
      %get3A_98 = vector.load %arg2[%get3A_95, %get3A_96, %get3A_97] : memref<4x256x256xf32, #tpu.memory_space<vmem>>, vector<1x256x256xf32>
      %get3A_99 = vector.shape_cast %get3A_98 : vector<1x256x256xf32> to vector<256x256xf32>
      %mul3A_100 = arith.mulf %get3A_94, %get3A_99 : vector<256x256xf32>
      %reduce_sum3A_101 = arith.constant dense<0.000000e+00> : vector<256xf32>
      %reduce_sum3A_102 = vector.multi_reduction <add>, %mul3A_100, %reduce_sum3A_101 [0] : vector<256x256xf32> to vector<256xf32>
      %broadcast_in_dim3A_103 = vector.shape_cast %reduce_sum3A_102 : vector<256xf32> to vector<1x256xf32>
      %get3A_104 = arith.constant 2 : index
      %get3A_105 = arith.constant 0 : index
      %get3A_106 = arith.constant 0 : index
      %get3A_107 = vector.load %arg2[%get3A_104, %get3A_105, %get3A_106] : memref<4x256x256xf32, #tpu.memory_space<vmem>>, vector<1x256x256xf32>
      %get3A_108 = vector.shape_cast %get3A_107 : vector<1x256x256xf32> to vector<256x256xf32>
      %get3A_109 = arith.constant 2 : index
      %get3A_110 = arith.constant 0 : index
      %get3A_111 = arith.constant 0 : index
      %get3A_112 = vector.load %arg2[%get3A_109, %get3A_110, %get3A_111] : memref<4x256x256xf32, #tpu.memory_space<vmem>>, vector<1x256x256xf32>
      %get3A_113 = vector.shape_cast %get3A_112 : vector<1x256x256xf32> to vector<256x256xf32>
      %mul3A_114 = arith.mulf %get3A_108, %get3A_113 : vector<256x256xf32>
      %reduce_sum3A_115 = arith.constant dense<0.000000e+00> : vector<256xf32>
      %reduce_sum3A_116 = vector.multi_reduction <add>, %mul3A_114, %reduce_sum3A_115 [0] : vector<256x256xf32> to vector<256xf32>
      %broadcast_in_dim3A_117 = vector.shape_cast %reduce_sum3A_116 : vector<256xf32> to vector<1x256xf32>
      %get3A_118 = arith.constant 3 : index
      %get3A_119 = arith.constant 0 : index
      %get3A_120 = arith.constant 0 : index
      %get3A_121 = vector.load %arg2[%get3A_118, %get3A_119, %get3A_120] : memref<4x256x256xf32, #tpu.memory_space<vmem>>, vector<1x256x256xf32>
      %get3A_122 = vector.shape_cast %get3A_121 : vector<1x256x256xf32> to vector<256x256xf32>
      %get3A_123 = arith.constant 3 : index
      %get3A_124 = arith.constant 0 : index
      %get3A_125 = arith.constant 0 : index
      %get3A_126 = vector.load %arg2[%get3A_123, %get3A_124, %get3A_125] : memref<4x256x256xf32, #tpu.memory_space<vmem>>, vector<1x256x256xf32>
      %get3A_127 = vector.shape_cast %get3A_126 : vector<1x256x256xf32> to vector<256x256xf32>
      %mul3A_128 = arith.mulf %get3A_122, %get3A_127 : vector<256x256xf32>
      %reduce_sum3A_129 = arith.constant dense<0.000000e+00> : vector<256xf32>
      %reduce_sum3A_130 = vector.multi_reduction <add>, %mul3A_128, %reduce_sum3A_129 [0] : vector<256x256xf32> to vector<256xf32>
      %broadcast_in_dim3A_131 = vector.shape_cast %reduce_sum3A_130 : vector<256xf32> to vector<1x256xf32>
      %concatenate3A_132 = tpu.concatenate %broadcast_in_dim3A_89, %broadcast_in_dim3A_103, %broadcast_in_dim3A_117, %broadcast_in_dim3A_131 in 1 : vector<1x256xf32>, vector<1x256xf32>, vector<1x256xf32>, vector<1x256xf32> -> vector<1x1024xf32>
      %swap3A_133 = arith.constant 0 : index
      %swap3A_134 = arith.constant 0 : index
      %swap3A_135 = vector.load %arg7[%swap3A_133, %swap3A_134] : memref<1x1024xf32, #tpu.memory_space<vmem>>, vector<1x1024xf32>
      tpu.vector_store %arg7[%swap3A_133, %swap3A_134], %concatenate3A_132 {strides = array<i32>} : memref<1x1024xf32, #tpu.memory_space<vmem>>, vector<1x1024xf32>,
      %get3A_136 = arith.constant 0 : index
      %get3A_137 = arith.constant 0 : index
      %get3A_138 = arith.constant 0 : index
      %get3A_139 = vector.load %arg2[%get3A_136, %get3A_137, %get3A_138] : memref<4x256x256xf32, #tpu.memory_space<vmem>>, vector<4x256x256xf32>
      %get3A_140 = arith.constant 0 : index
      %get3A_141 = arith.constant 0 : index
      %get3A_142 = arith.constant 0 : index
      %get3A_143 = vector.load %arg2[%get3A_140, %get3A_141, %get3A_142] : memref<4x256x256xf32, #tpu.memory_space<vmem>>, vector<4x256x256xf32>
      %add3A_144 = arith.addf %get3A_139, %get3A_143 : vector<4x256x256xf32>
      %swap3A_145 = arith.constant 0 : index
      %swap3A_146 = arith.constant 0 : index
      %swap3A_147 = arith.constant 0 : index
      %swap3A_148 = vector.load %arg8[%swap3A_145, %swap3A_146, %swap3A_147] : memref<4x256x256xf32, #tpu.memory_space<vmem>>, vector<4x256x256xf32>
      tpu.vector_store %arg8[%swap3A_145, %swap3A_146, %swap3A_147], %add3A_144 {strides = array<i32>} : memref<4x256x256xf32, #tpu.memory_space<vmem>>, vector<4x256x256xf32>,
      %broadcast_in_dim3A_149 = arith.constant 0x7F800000 : f32
      %broadcast_in_dim3A_150 = vector.broadcast %broadcast_in_dim3A_149 : f32 to vector<1024xf32>
      %swap3A_151 = arith.constant 0 : index
      %swap3A_152 = vector.load %arg10[%swap3A_151] : memref<1024xf32, #tpu.memory_space<vmem>>, vector<1024xf32>
      tpu.vector_store %arg10[%swap3A_151], %broadcast_in_dim3A_150 {strides = array<i32>} : memref<1024xf32, #tpu.memory_space<vmem>>, vector<1024xf32>,
      %broadcast_in_dim3A_153 = arith.constant 0 : i32
      %broadcast_in_dim3A_154 = vector.broadcast %broadcast_in_dim3A_153 : i32 to vector<1024xi32>
      %swap3A_155 = arith.constant 0 : index
      %swap3A_156 = vector.load %arg11[%swap3A_155] : memref<1024xi32, #tpu.memory_space<vmem>>, vector<1024xi32>
      tpu.vector_store %arg11[%swap3A_155], %broadcast_in_dim3A_154 {strides = array<i32>} : memref<1024xi32, #tpu.memory_space<vmem>>, vector<1024xi32>,
      %eq3A_157 = arith.constant 0 : i32
      %eq3A_158 = arith.cmpi eq, %arg0, %eq3A_157 : i32
      %convert_element_type3A_159 = arith.extui %eq3A_158 : i1 to i32
      %cond3A_160 = arith.constant 0 : i32
      %cond3A_161 = arith.cmpi ne, %convert_element_type3A_159, %cond3A_160 : i32
      scf.if %cond3A_161 {
        %iota3A = tpu.iota {dimensions = array<i32: 0>} : vector<2048x1xi32>
        %convert_element_type3A_162 = arith.sitofp %iota3A : vector<2048x1xi32> to vector<2048x1xf32>
        %swap3A_163 = arith.constant 0 : index
        %swap3A_164 = arith.constant 0 : index
        %swap3A_165 = vector.load %arg9[%swap3A_163, %swap3A_164] : memref<2048x1xf32, #tpu.memory_space<vmem>>, vector<2048x1xf32>
        tpu.vector_store %arg9[%swap3A_163, %swap3A_164], %convert_element_type3A_162 {strides = array<i32>} : memref<2048x1xf32, #tpu.memory_space<vmem>>, vector<2048x1xf32>,
      } else {
      }
    } else {
    }
    %get3A = arith.constant 0 : index
    %get3A_7 = arith.constant 0 : index
    %get3A_8 = vector.load %arg3[%get3A, %get3A_7] : memref<2048x256xf32, #tpu.memory_space<vmem>>, vector<2048x256xf32>
    %get3A_9 = arith.constant 0 : index
    %get3A_10 = arith.constant 0 : index
    %get3A_11 = arith.constant 0 : index
    %get3A_12 = vector.load %arg8[%get3A_9, %get3A_10, %get3A_11] : memref<4x256x256xf32, #tpu.memory_space<vmem>>, vector<1x256x256xf32>
    %get3A_13 = vector.shape_cast %get3A_12 : vector<1x256x256xf32> to vector<256x256xf32>
    %dot_general3A = arith.constant dense<0.000000e+00> : vector<2048x256xf32>
    %dot_general3A_14 = tpu.matmul %get3A_8, %get3A_13, %dot_general3A {dimension_numbers = #tpu.dot_dimension_numbers<[1], [0], [0], [1], [0, 0, 1, 1], [], []>, transpose_lhs_hint = false} : vector<2048x256xf32>, vector<256x256xf32>, vector<2048x256xf32> -> vector<2048x256xf32>
    %get3A_15 = arith.constant 1 : index
    %get3A_16 = arith.constant 0 : index
    %get3A_17 = arith.constant 0 : index
    %get3A_18 = vector.load %arg8[%get3A_15, %get3A_16, %get3A_17] : memref<4x256x256xf32, #tpu.memory_space<vmem>>, vector<1x256x256xf32>
    %get3A_19 = vector.shape_cast %get3A_18 : vector<1x256x256xf32> to vector<256x256xf32>
    %dot_general3A_20 = arith.constant dense<0.000000e+00> : vector<2048x256xf32>
    %dot_general3A_21 = tpu.matmul %get3A_8, %get3A_19, %dot_general3A_20 {dimension_numbers = #tpu.dot_dimension_numbers<[1], [0], [0], [1], [0, 0, 1, 1], [], []>, transpose_lhs_hint = false} : vector<2048x256xf32>, vector<256x256xf32>, vector<2048x256xf32> -> vector<2048x256xf32>
    %get3A_22 = arith.constant 2 : index
    %get3A_23 = arith.constant 0 : index
    %get3A_24 = arith.constant 0 : index
    %get3A_25 = vector.load %arg8[%get3A_22, %get3A_23, %get3A_24] : memref<4x256x256xf32, #tpu.memory_space<vmem>>, vector<1x256x256xf32>
    %get3A_26 = vector.shape_cast %get3A_25 : vector<1x256x256xf32> to vector<256x256xf32>
    %dot_general3A_27 = arith.constant dense<0.000000e+00> : vector<2048x256xf32>
    %dot_general3A_28 = tpu.matmul %get3A_8, %get3A_26, %dot_general3A_27 {dimension_numbers = #tpu.dot_dimension_numbers<[1], [0], [0], [1], [0, 0, 1, 1], [], []>, transpose_lhs_hint = false} : vector<2048x256xf32>, vector<256x256xf32>, vector<2048x256xf32> -> vector<2048x256xf32>
    %get3A_29 = arith.constant 3 : index
    %get3A_30 = arith.constant 0 : index
    %get3A_31 = arith.constant 0 : index
    %get3A_32 = vector.load %arg8[%get3A_29, %get3A_30, %get3A_31] : memref<4x256x256xf32, #tpu.memory_space<vmem>>, vector<1x256x256xf32>
    %get3A_33 = vector.shape_cast %get3A_32 : vector<1x256x256xf32> to vector<256x256xf32>
    %dot_general3A_34 = arith.constant dense<0.000000e+00> : vector<2048x256xf32>
    %dot_general3A_35 = tpu.matmul %get3A_8, %get3A_33, %dot_general3A_34 {dimension_numbers = #tpu.dot_dimension_numbers<[1], [0], [0], [1], [0, 0, 1, 1], [], []>, transpose_lhs_hint = false} : vector<2048x256xf32>, vector<256x256xf32>, vector<2048x256xf32> -> vector<2048x256xf32>
    %concatenate3A = tpu.concatenate %dot_general3A_14, %dot_general3A_21, %dot_general3A_28, %dot_general3A_35 in 1 : vector<2048x256xf32>, vector<2048x256xf32>, vector<2048x256xf32>, vector<2048x256xf32> -> vector<2048x1024xf32>
    %get3A_36 = arith.constant 0 : index
    %get3A_37 = arith.constant 0 : index
    %get3A_38 = vector.load %arg7[%get3A_36, %get3A_37] : memref<1x1024xf32, #tpu.memory_space<vmem>>, vector<1x1024xf32>
    %sub3A = vector.broadcast %get3A_38 : vector<1x1024xf32> to vector<2048x1024xf32>
    %sub3A_39 = arith.subf %sub3A, %concatenate3A : vector<2048x1024xf32>
    %mul3A = arith.constant 2048 : i32
    %mul3A_40 = arith.muli %arg1, %mul3A : i32
    %get3A_41 = arith.index_cast %mul3A_40 : i32 to index
    %get3A_42 = arith.constant 0 : index
    %get3A_43 = vector.load %arg6[%get3A_41, %get3A_42] : memref<8192x1xf32, #tpu.memory_space<vmem>>, vector<2048x1xf32>
    %add3A = vector.broadcast %get3A_43 : vector<2048x1xf32> to vector<2048x1024xf32>
    %add3A_44 = arith.addf %sub3A_39, %add3A : vector<2048x1024xf32>
    %reduce_min3A = arith.constant dense<0x7F800000> : vector<1024xf32>
    %reduce_min3A_45 = vector.multi_reduction <minimumf>, %add3A_44, %reduce_min3A [0] : vector<2048x1024xf32> to vector<1024xf32>
    %broadcast_in_dim3A = vector.shape_cast %reduce_min3A_45 : vector<1024xf32> to vector<1x1024xf32>
    %eq3A_46 = vector.broadcast %broadcast_in_dim3A : vector<1x1024xf32> to vector<2048x1024xf32>
    %eq3A_47 = arith.cmpf oeq, %add3A_44, %eq3A_46 : vector<2048x1024xf32>
    %get3A_48 = arith.constant 0 : index
    %get3A_49 = arith.constant 0 : index
    %get3A_50 = vector.load %arg9[%get3A_48, %get3A_49] : memref<2048x1xf32, #tpu.memory_space<vmem>>, vector<2048x1xf32>
    %jit3A = arith.constant 2.048000e+03 : f32
    %broadcast_in_dim3A_51 = vector.shape_cast %get3A_50 : vector<2048x1xf32> to vector<2048x1xf32>
    %broadcast_in_dim3A_52 = vector.broadcast %broadcast_in_dim3A_51 : vector<2048x1xf32> to vector<2048x1024xf32>
    %broadcast_in_dim3A_53 = vector.broadcast %jit3A : f32 to vector<2048x1024xf32>
    %select_n3A = arith.select %eq3A_47, %broadcast_in_dim3A_52, %broadcast_in_dim3A_53 : vector<2048x1024xi1>, vector<2048x1024xf32>
    %reduce_min3A_54 = arith.constant dense<0x7F800000> : vector<1024xf32>
    %reduce_min3A_55 = vector.multi_reduction <minimumf>, %select_n3A, %reduce_min3A_54 [0] : vector<2048x1024xf32> to vector<1024xf32>
    %convert_element_type3A_56 = arith.fptosi %reduce_min3A_55 : vector<1024xf32> to vector<1024xi32>
    %mul3A_57 = arith.constant 2048 : i32
    %mul3A_58 = arith.muli %arg1, %mul3A_57 : i32
    %add3A_59 = vector.broadcast %mul3A_58 : i32 to vector<1024xi32>
    %add3A_60 = arith.addi %convert_element_type3A_56, %add3A_59 : vector<1024xi32>
    %get3A_61 = arith.constant 0 : index
    %get3A_62 = vector.load %arg10[%get3A_61] : memref<1024xf32, #tpu.memory_space<vmem>>, vector<1024xf32>
    %lt3A = arith.cmpf olt, %reduce_min3A_45, %get3A_62 : vector<1024xf32>
    %get3A_63 = arith.constant 0 : index
    %get3A_64 = vector.load %arg10[%get3A_63] : memref<1024xf32, #tpu.memory_space<vmem>>, vector<1024xf32>
    %select_n3A_65 = arith.select %lt3A, %reduce_min3A_45, %get3A_64 : vector<1024xi1>, vector<1024xf32>
    %get3A_66 = arith.constant 0 : index
    %get3A_67 = vector.load %arg11[%get3A_66] : memref<1024xi32, #tpu.memory_space<vmem>>, vector<1024xi32>
    %select_n3A_68 = arith.select %lt3A, %add3A_60, %get3A_67 : vector<1024xi1>, vector<1024xi32>
    %swap3A = arith.constant 0 : index
    %swap3A_69 = vector.load %arg10[%swap3A] : memref<1024xf32, #tpu.memory_space<vmem>>, vector<1024xf32>
    tpu.vector_store %arg10[%swap3A], %select_n3A_65 {strides = array<i32>} : memref<1024xf32, #tpu.memory_space<vmem>>, vector<1024xf32>,
    %swap3A_70 = arith.constant 0 : index
    %swap3A_71 = vector.load %arg11[%swap3A_70] : memref<1024xi32, #tpu.memory_space<vmem>>, vector<1024xi32>
    tpu.vector_store %arg11[%swap3A_70], %select_n3A_68 {strides = array<i32>} : memref<1024xi32, #tpu.memory_space<vmem>>, vector<1024xi32>,
    %eq3A_72 = arith.constant 3 : i32
    %eq3A_73 = arith.cmpi eq, %arg1, %eq3A_72 : i32
    %convert_element_type3A_74 = arith.extui %eq3A_73 : i1 to i32
    %cond3A_75 = arith.constant 0 : i32
    %cond3A_76 = arith.cmpi ne, %convert_element_type3A_74, %cond3A_75 : i32
    scf.if %cond3A_76 {
      %swap3A_77 = arith.constant 0 : index
      %swap3A_78 = vector.load %arg4[%swap3A_77] : memref<1024xi32, #tpu.memory_space<vmem>>, vector<1024xi32>
      tpu.vector_store %arg4[%swap3A_77], %select_n3A_68 {strides = array<i32>} : memref<1024xi32, #tpu.memory_space<vmem>>, vector<1024xi32>,
      %reduce_sum3A = vector.shape_cast %select_n3A_65 : vector<1024xf32> to vector<1x1024xf32>
      %reduce_sum3A_79 = arith.constant dense<0.000000e+00> : vector<1xf32>
      %reduce_sum3A_80 = vector.multi_reduction <add>, %reduce_sum3A, %reduce_sum3A_79 [1] : vector<1x1024xf32> to vector<1xf32>
      %reduce_sum3A_81 = vector.shape_cast %reduce_sum3A_80 : vector<1xf32> to vector<1x1xf32>
      %reduce_sum3A_82 = vector.extract %reduce_sum3A_81[0, 0] : f32 from vector<1x1xf32>
      %eq3A_83 = arith.constant 0 : i32
      %eq3A_84 = arith.cmpi eq, %arg0, %eq3A_83 : i32
      %convert_element_type3A_85 = arith.extui %eq3A_84 : i1 to i32
      %cond3A_86 = arith.constant 0 : i32
      %cond3A_87 = arith.cmpi ne, %convert_element_type3A_85, %cond3A_86 : i32
      scf.if %cond3A_87 {
        %swap3A_93 = arith.constant 0.000000e+00 : f32
        %swap3A_94 = arith.constant 0 : index
        %swap3A_95 = memref.load %arg5[%swap3A_94] : memref<1xf32, #tpu.memory_space<smem>>
        memref.store %swap3A_93, %arg5[%swap3A_94] : memref<1xf32, #tpu.memory_space<smem>>
      } else {
      }
      %get3A_88 = arith.constant 0 : index
      %get3A_89 = memref.load %arg5[%get3A_88] : memref<1xf32, #tpu.memory_space<smem>>
      %add3A_90 = arith.addf %get3A_89, %reduce_sum3A_82 : f32
      %swap3A_91 = arith.constant 0 : index
      %swap3A_92 = memref.load %arg5[%swap3A_91] : memref<1xf32, #tpu.memory_space<smem>>
      memref.store %add3A_90, %arg5[%swap3A_91] : memref<1xf32, #tpu.memory_space<smem>>
    } else {
    }
    return
  }
  func.func @transform_0(%arg0: i32, %arg1: i32) -> (i32, i32, i32) {
    %c0_i32 = arith.constant 0 : i32
    %c0_i32_0 = arith.constant 0 : i32
    %c0_i32_1 = arith.constant 0 : i32
    return %arg0, %c0_i32, %c0_i32_0 : i32, i32, i32
  }
  func.func @transform_1(%arg0: i32, %arg1: i32) -> (i32, i32) {
    %c0_i32 = arith.constant 0 : i32
    %c0_i32_0 = arith.constant 0 : i32
    return %arg1, %c0_i32 : i32, i32
  }
  func.func @transform_2(%arg0: i32, %arg1: i32) -> i32 {
    %c0_i32 = arith.constant 0 : i32
    return %arg0 : i32
  }
  func.func @transform_3(%arg0: i32, %arg1: i32) -> i32 {
    %c0_i32 = arith.constant 0 : i32
    %c0_i32_0 = arith.constant 0 : i32
    return %c0_i32 : i32
  }
}

</mosaic_0001>

<sc_bundles>
// kernel: kernel.5.cloned.1.call-start
scs
__scs_entry_jumppad:
0x0: {  	(pc) =	sbr.rel $0x88, $3  }
0x1: {  	(tag) =	ssettag $0x0;
	lr =	simm.s32 $0x1  }
0x2: {  	[smem:$0x3F9F] =	sst lr;
	_ =	strace $0xD0000000  }
0x3: {  	_ = 	snop  }
0x4: {  	_ = 	snop  }
0x5: {  	_ = 	snop  }
0x6: {  	_ = 	snop  }
0x7: {  	_ = 	snop  }
__scs_overlays_trampoline_lowered:
0x8: {  	[smem:$0x3FAE] =	sst s0  }
0x9: {  	[smem:$0x3FAF] =	sst s1  }
0xa: {  	[smem:$0x3FB0] =	sst s2  }
0xb: {  	[smem:$0x3FB1] =	sst s3  }
0xc: {  	[smem:$0x3FB2] =	sst s4  }
0xd: {  	[smem:$0x3FB3] =	sst s5  }
0xe: {  	[smem:$0x3FB4] =	sst s6  }
0xf: {  	[smem:$0x3FB5] =	sst s7  }
0x10: {  	[smem:$0x3FB6] =	sst s8  }
0x11: {  	[smem:$0x3FB7] =	sst s9;
	s0 =	simm.s32 @!p0 $0x0  }
0x12: {  	s1 =	sld [smem:$0x3F9D];
	s0 =	simm.s32 @p0 $0x1  }
0x13: {  	[smem:$0x3FB8] =	sst s0;
	s0 =	simm.s32 @!p1 $0x0  }
0x14: {  	s2 =	sld [smem:$0x3F9C];
	s0 =	simm.s32 @p1 $0x1  }
0x15: {  	[smem:$0x3FB9] =	sst s0;
	s0 =	simm.s32 @!p2 $0x0  }
0x16: {  	s3 =	sld [smem:$0x3FDB];
	s0 =	simm.s32 @p2 $0x1  }
0x17: {  	s4 =	simm.s32 $0x1BF5;
	[smem:$0x3FBB] =	sst s0  }
0x18: {  	s0 =	sld [smem:$0x3F9E];
	_ =	swait.ge [sflag:s4], $0x0  }
0x19: {  	s7 =	sld [smem:$0x3F9F]  }
0x1a: {  	s8 =	sadd.s32 $0xFFFFE003, lr  }
0x1b: {  	s9 =	sadd.s32 $0xFFFFFEF7, lr;
	s5 =	simm.s32 $0xFFFFFFFF;
	p2 =	slt.u32 s8, $0xFFFFF086  }
0x1c: {  	p1 =	slt.u32 s9, $0xF7A;
	s5 =	simm.s32 @!p2 $0x0  }
0x1d: {  	s5 =	simm.s32 @p1 $0x1;
	p0 =	seq.s32 s7, s2  }
0x1e: {  	s7 =	smul.u32 @!p0 $0xF7A, s2;
	p2 =	seq.s32 @!p0 s5, $0x0  }
0x1f: {  	s9 =	smul.u32 $0xF7A, s1;
	s8 =	simm.s32 @!p0 $0x1BF5;
	p2 =	por !p2, p0  }
0x20: {  	[sflag:s8] =	ssyncset.s32 @!p0 $0xFFFFF086;
	s6 =	sadd.s32 @!p0 s3, s7;
	s7 =	simm.s32 @!p0 $0x108  }
0x21: {  	s3 =	sadd.s32 s3, s9;
	s6 =	sadd.s32 @!p0 $0x88, s6;
	s7 =	simm.s32 @p2 $0x1082  }
0x22: {  	[simem:s7], [sflag:s8] =	dma.local @!p0 [hbm:s6], $0xF7A  }
0x23: {  	s9 =	sor.u32 $0xD0000000, s2;
	s6 =	simm.s32 $0x108;
	_ =	swait.ge @!p0 [sflag:s8], $0x0  }
0x24: {  	s3 =	sadd.s32 $0x88, s3;
	s6 =	simm.s32 @!p1 $0x1082;
	[sflag:s4] =	ssyncset.s32 $0xFFFFF086  }
0x25: {  	[simem:s6], [sflag:s4] =	dma.local [hbm:s3], $0xF7A  }
0x26: {  	[smem:$0x3F9F] =	sst s1;
	(tag) =	ssettag s2;
	_ =	strace s9  }
0x27: {  	s1 =	sld [smem:$0x3FAF]  }
0x28: {  	s2 =	sld [smem:$0x3FB0]  }
0x29: {  	s4 =	sld [smem:$0x3FB2]  }
0x2a: {  	p0 =	seq.s32 s5, $0x0;
	s5 =	sld [smem:$0x3FB3]  }
0x2b: {  	s6 =	sld [smem:$0x3FB4]  }
0x2c: {  	s7 =	sld [smem:$0x3FB5]  }
0x2d: {  	s3 =	simm.s32 $0x108;
	s8 =	sld [smem:$0x3FB6]  }
0x2e: {  	s3 =	simm.s32 @!p0 $0x1082;
	s9 =	sld [smem:$0x3FB7]  }
0x2f: {  	lr =	sadd.s32 s0, s3;
	s0 =	sld [smem:$0x3FAE]  }
0x30: {  	s3 =	sld [smem:$0x3FB1]  }
0x31: {  	[smem:$0x3FBA] =	sst s10  }
0x32: {  	s10 =	sld [smem:$0x3FB8];
	_ =	sdelay $0x3  }
0x33: {  	p0 =	seq.s32 s10, $0x1;
	s10 =	sld [smem:$0x3FBA];
	_ =	sdelay $0x3  }
0x34: {  	[smem:$0x3FBA] =	sst s10  }
0x35: {  	s10 =	sld [smem:$0x3FB9];
	_ =	sdelay $0x3  }
0x36: {  	p1 =	seq.s32 s10, $0x1;
	s10 =	sld [smem:$0x3FBA];
	_ =	sdelay $0x3  }
0x37: {  	[smem:$0x3FBA] =	sst s10  }
0x38: {  	s10 =	sld [smem:$0x3FBB]  }
0x39: {  	_ = 	snop;
	(pc) =	sbr.ind lr, $3  }
0x3a: {  	_ = 	snop  }
0x3b: {  	_ = 	snop  }
0x3c: {  	p2 =	seq.s32 s10, $0x1;
	s10 =	sld [smem:$0x3FBA]  }
0x3d: {  	_ =	shalt  }
0x3e: {  	_ =	shalt  }
0x3f: {  	_ =	shalt  }
0x40: {  	_ =	shalt  }
0x41: {  	_ =	shalt  }
0x42: {  	_ =	shalt  }
0x43: {  	_ =	shalt  }
0x44: {  	_ =	shalt  }
0x45: {  	_ =	shalt  }
0x46: {  	_ =	shalt  }
0x47: {  	_ =	shalt  }
0x48: {  	_ =	shalt  }
0x49: {  	_ =	shalt  }
0x4a: {  	_ =	shalt  }
0x4b: {  	_ =	shalt  }
0x4c: {  	_ =	shalt  }
0x4d: {  	_ =	shalt  }
0x4e: {  	_ =	shalt  }
0x4f: {  	_ =	shalt  }
0x50: {  	_ =	shalt  }
0x51: {  	_ =	shalt  }
0x52: {  	_ =	shalt  }
0x53: {  	_ =	shalt  }
0x54: {  	_ =	shalt  }
0x55: {  	_ =	shalt  }
0x56: {  	_ =	shalt  }
0x57: {  	_ =	shalt  }
0x58: {  	_ =	shalt  }
0x59: {  	_ =	shalt  }
0x5a: {  	_ =	shalt  }
0x5b: {  	_ =	shalt  }
0x5c: {  	_ =	shalt  }
0x5d: {  	_ =	shalt  }
0x5e: {  	_ =	shalt  }
0x5f: {  	_ =	shalt  }
0x60: {  	_ =	shalt  }
0x61: {  	_ =	shalt  }
0x62: {  	_ =	shalt  }
0x63: {  	_ =	shalt  }
0x64: {  	_ =	shalt  }
0x65: {  	_ =	shalt  }
0x66: {  	_ =	shalt  }
0x67: {  	_ =	shalt  }
0x68: {  	_ =	shalt  }
0x69: {  	_ =	shalt  }
0x6a: {  	_ =	shalt  }
0x6b: {  	_ =	shalt  }
0x6c: {  	_ =	shalt  }
0x6d: {  	_ =	shalt  }
0x6e: {  	_ =	shalt  }
0x6f: {  	_ =	shalt  }
0x70: {  	_ =	shalt  }
0x71: {  	_ =	shalt  }
0x72: {  	_ =	shalt  }
0x73: {  	_ =	shalt  }
0x74: {  	_ =	shalt  }
0x75: {  	_ =	shalt  }
0x76: {  	_ =	shalt  }
0x77: {  	_ =	shalt  }
0x78: {  	_ =	shalt  }
0x79: {  	_ =	shalt  }
0x7a: {  	_ =	shalt  }
0x7b: {  	_ =	shalt  }
0x7c: {  	_ =	shalt  }
0x7d: {  	_ =	shalt  }
0x7e: {  	_ =	shalt  }
0x7f: {  	_ =	shalt  }
0x80: {  	_ =	shalt  }
0x81: {  	_ =	shalt  }
0x82: {  	_ =	shalt  }
0x83: {  	_ =	shalt  }
0x84: {  	_ =	shalt  }
0x85: {  	_ =	shalt  }
0x86: {  	_ =	shalt  }
0x87: {  	_ =	shalt  }
.Lfunc_end0:
.L_simem_size_0:
called_computation_lowered:
.L_overlay_start_0:
0x88: {  	s2 =	sld [smem:$0x3FD9]  }
0x89: {  	s3 =	sld [smem:$0x3FFE];
	_ =	sdelay $0x1  }
0x8a: {  	s1 =	srdreg.scid  }
0x8b: {  	s0 =	sand.u32 $0x1, s1  }
0x8c: {  	s14 =	sshll.u32 s0, $0xA;
	s2 =	sadd.s32 s3, s2  }
0x8d: {  	s2 =	sadd.s32 s2, s14  }
0x8e: {  	[smem:$0x3FC6] =	sst s2  }
0x8f: {  	_ = 	snop  }
0x90: {  	s2 =	sld [smem:$0x3FD0];
	_ =	sdelay $0x2  }
0x91: {  	s4 =	simm.s32 $0xA;
	s5 =	simm.s32 $0x10;
	s15 =	sld [smem:$0x3FC8]  }
0x92: {  	[smem:s5], [sflag:s4] =	dma.local [hbm:s2], $0x1  }
0x93: {  	_ =	swait.eq [sflag:s4], $0x1  }
0x94: {  	[sflag:s4] =	ssyncset.done $0x0  }
0x95: {  	[sflag:s4] =	ssyncadd.s32 $0xFFFFFFFF  }
0x96: {  	s16 =	sld [smem:$0x10];
	(tm) =	ssettm $0x1  }
0x97: {  	s17 =	sld [smem:$0x3FFB];
	_ =	sdelay $0x3  }
0x98: {  	_ =	strace s17  }
0x99: {  	s4 =	sld [smem:$0x3FFC];
	_ =	sdelay $0x3  }
0x9a: {  	_ =	strace s4  }
0x9b: {  	s4 =	sld [smem:$0x3FFD];
	_ =	sdelay $0x3  }
0x9c: {  	_ =	strace s4  }
0x9d: {  	_ =	strace $0x8FFFFFFF  }
0x9e: {  	s18 =	sld [smem:$0x3FDB];
	_ =	sdelay $0x1  }
0x9f: {  	s19 =	simm.s32 $_scs_section_size  }
0xa0: {  	s6 =	simm.s32 $_size__tile_overlayer_lowered;
	s7 =	simm.s32 $_tile_overlayer_lowered  }
0xa1: {  	s22 =	simm.s32 $0x1BFF;
	s21 =	sshll.u32 s7, $0x1;
	s4 =	sadd.s32 s19, s18  }
0xa2: {  	s8 =	simm.s32 $0x0;
	s20 =	sshll.u32 s6, $0x1;
	s6 =	sadd.s32 s21, s4  }
0xa3: {  	[timem:s8], [sflag:s22] =	dma.local [hbm:s6], s20  }
0xa4: {  	_ =	swait.ge [sflag:s22], s20  }
0xa5: {  	s5 =	ssub.s32 $0x0, s20;
	[sflag:s22] =	ssyncset.done $0x0  }
0xa6: {  	[sflag:s22] =	ssyncadd.s32 s5;
	_ =	sdelay $0x1  }
0xa7: {  	s23 =	simm.s32 $0x1B8B  }
0xa8: {  	_ =	swait.ge [sflag:s23], $0x1  }
0xa9: {  	[sflag:s23] =	ssyncset.done $0x0  }
0xaa: {  	s25 =	simm.s32 $0x1B8E;
	s24 =	sld [smem:$0x3FFE];
	[sflag:s23] =	ssyncadd.s32 $0xFFFFFFFF  }
0xab: {  	s26 =	simm.s32 $execute0_lowered;
	[smem:$0x3FD2] =	sst s25  }
0xac: {  	s6 =	sshll.u32 s26, $0x1;
	_ =	strace $0x80000046;
	[dreg:$0x1] =	wrdreg $0xFFFFFFFF  }
0xad: {  	s28 =	simm.s32 $_size_execute0_lowered;
	s4 =	sadd.s32 s4, s6;
	[dreg:$0x0] =	wrdreg $0x0  }
0xae: {  	s6 =	sshll.u32 s28, $0x1;
	[dreg:$0x2] =	wrdreg s4  }
0xaf: {  	[dreg:$0x3] =	wrdreg s6  }
0xb0: {  	[dreg:$0x4] =	wrdreg $0xC0  }
0xb1: {  	_ =	task [dreg:s8], $0x5FFFF  }
0xb2: {  	[dreg:$0x1] =	wrdreg $0xFFFFFFFF  }
0xb3: {  	[dreg:$0x0] =	wrdreg $0x60  }
0xb4: {  	[dreg:$0x2] =	wrdreg s15  }
0xb5: {  	[dreg:$0x3] =	wrdreg s24  }
0xb6: {  	[dreg:$0x4] =	wrdreg s16  }
0xb7: {  	[dreg:$0x5] =	wrdreg $0x9  }
0xb8: {  	_ =	task.clear_ibuf [dreg:s8], $0x6FFFF;
	_ =	strace $0x90000046  }
0xb9: {  	s29 =	simm.s32 $0x9;
	_ =	strace $0x80000048  }
0xba: {  	_ =	swait.ge [sflag:s29], $0x1  }
0xbb: {  	[sflag:s29] =	ssyncadd.s32 $0xFFFFFFFF  }
0xbc: {  	_ =	strace $0x90000048  }
0xbd: {  	_ =	sfence  }
0xbe: {  	s30 =	sld [smem:$0x0];
	_ =	sdelay $0x2  }
0xbf: {  	s31 =	sshll.u32 s1, $0xD;
	s1 =	sshrl.u32 s1, $0x2  }
0xc0: {  	s3 =	sand.u32 $0x4000, s31;
	s1 =	sadd.s32 s1, s30  }
0xc1: {  	s0 =	sor.u32 s3, s0;
	s1 =	sshll.u32 s1, $0x11  }
0xc2: {  	s0 =	sor.u32 s1, s0  }
0xc3: {  	s0 =	sadd.s32 $0x8F2B, s0  }
0xc4: {  	[sflag:s0] =	ssyncadd.remote.s32 $0x1  }
0xc5: {  	_ =	sfence.sel $0xFFFF  }
0xc6: {  	[dreg:$0x0] =	wrdreg $0xFFFFFFFF;
	(pc) =	sbr.abs _section_cstart, $3  }
0xc7: {  	[dreg:$0x1] =	wrdreg $0xFFFFFFFF  }
0xc8: {  	_ =	task.clear_ibuf [dreg:s8], $0x2FFFF;
	_ =	strace $0x9FFFFFFF  }
0xc9: {  	(tm) =	ssettm $0x7FFFFFFF  }
tec
execute0_lowered:
.L_overlay_start_1:
0x0: {  	(tag) =	ssettag $0x1  }
0x1: {  	s1 =	rddreg [dreg:$0x0]  }
0x2: {  	s4 =	rddreg [dreg:$0x1]  }
0x3: {  	s5 =	rddreg [dreg:$0x2]  }
0x4: {  	s0 =	rddreg [dreg:$0x3];
	s3 =	simm.s32 $0x0;
	s6 =	srdreg.scid  }
0x5: {  	s2 =	stileid.u32;
	s12 =	simm.s32 $0x1880;
	s13 =	simm.s32 $0x2080  }
0x6: {  	s14 =	simm.s32 $0x2880;
	s15 =	simm.s32 $0x3080;
	s16 =	simm.s32 $0x3880  }
0x7: {  	s17 =	simm.s32 $0x4080;
	s18 =	simm.s32 $0x4880;
	s19 =	simm.s32 $0x5080  }
0x8: {  	s20 =	simm.s32 $0x5880;
	s21 =	simm.s32 $0x6080;
	s22 =	simm.s32 $0x6880  }
0x9: {  	s23 =	simm.s32 $0x7080;
	s24 =	simm.s32 $0x7880;
	s25 =	simm.s32 $0x8080  }
0xa: {  	s26 =	simm.s32 $0x1;
	s28 =	simm.s32 $0x400;
	s29 =	simm.s32 $0x0  }
0xb: {  	v2 =	vlaneseq.u32;
	vm0 =	vmmov $0xffff;
	[smem:$0x7FF] =	sst s3;
	s6 =	sand.u32 $0x1, s6;
	s7 =	sshll.u32 s2, $0x1  }
0xc: {  	v3 =	vimm.f32 $0.0e+00;
	v4 =	vimm.f32 $1.000000000e+00;
	vm1 =	vcmask $0x704;
	s9 =	sshll.u32 s2, $0xB;
	_ =	strace $0x80000047;
	s7 =	sor.u32 s6, s7  }
0xd: {  	vm2 =	vcmask $0xB08;
	vm3 =	vcmask $0xF0C;
	vm4 =	vcmask $0x1310;
	s6 =	ssub.s32 $0x2, s6;
	s9 =	sand.u32 $0x6000, s9;
	s8 =	sshll.u32 s7, $0x4  }
0xe: {  	vm5 =	vcmask $0x1714;
	vm6 =	vcmask $0x1B18;
	vm7 =	vcmask $0x1F1C;
	s11 =	sshrl.u32 s6, $0x1;
	s9 =	sadd.s32 s9, s4;
	s7 =	sshll.u32 s7, $0xC  }
0xf: {  	vm8 =	vcmask $0x2320;
	vm9 =	vcmask $0x2724;
	vm10 =	vcmask $0x2B28;
	s10 =	sadd.s32 s8, s4;
	s11 =	ssub.s32 s6, s11;
	s31 =	sand.u32 $0x70, s8  }
0x10: {  	vm11 =	vcmask $0x2F2C;
	vm12 =	vcmask $0x3330;
	vm13 =	vcmask $0x3734;
	s5 =	sadd.s32 s5, s7;
	s8 =	simm.s32 $0x2;
	s4 =	sadd.s32 $0x1600, s10  }
0x11: {  	vm14 =	vcmask $0x3B38;
	vm15 =	vcmask $0x3F3C;
	v1 =	vshrl.u32 v2, $0x3;
	s6 =	sadd.s32 s31, s9;
	s7 =	smax.u32 s11, $0x1;
	s9 =	simm.s32 $0x80  }
0x12: {  	v0 =	vand.u32 $0x7, v2;
	v2 =	vor.u32 $0x8, v2;
	v1 =	vmul.u32 $0x8, v1;
	s10 =	simm.s32 $0x880;
	s11 =	simm.s32 $0x1080;
	s6 =	sadd.s32 $0x1800, s6  }
.LBB2_1:
0x13: {  	[tilespmem:s3], [sflag:$0x2] =	stream.linear.gather [hbm4b:s4+s3], $0x80, $0x38;
	[tilespmem:$0xA080] =	vst v63  }
0x14: {  	_ =	swait.ge [sflag:s8], $0x80  }
0x15: {  	[sflag:s8] =	ssyncset.done $0x0  }
0x16: {  	[sflag:s8] =	ssyncadd.s32 $0xFFFFFF80  }
0x17: {  	v5 =	vld [tilespmem:$0x0];
	_ =	sdelay $0x4  }
0x18: {  	v6 =	vshll.u32 v5, $0x1  }
0x19: {  	v5 =	vand.u32 $0x7, v5;
	v6 =	vand.u32 $0xFFFFFFF0, v6  }
0x1a: {  	v5 =	vor.u32 v5, v6  }
0x1b: {  	v6 =	vperm.xlane v5, v0;
	_ =	sdelay $0x1  }
0x1c: {  	v5 =	vperm.xlane v5, v2;
	v6 =	vadd.s32 v1, v6;
	_ =	sdelay $0x1  }
0x1d: {  	v5 =	vadd.s32 v1, v5;
	_ =	sdelay $0x2  }
0x1e: {  	[tilespmem:s9], [sflag:$0x1] =	stream.indirect_vreg.gather [hbm4b:s1+s3], $0x80, v6, vm0, $0xb8;
	[tilespmem:$0xA080] =	vst v63  }
0x1f: {  	_ = 	snop  }
0x20: {  	[tilespmem:s10], [sflag:$0x1] =	stream.indirect_vreg.gather [hbm4b:s1+s3], $0x80, v5, vm0, $0xb8;
	[tilespmem:$0xA080] =	vst v63  }
0x21: {  	v5 =	vld [tilespmem:$0x10];
	_ =	sdelay $0x4  }
0x22: {  	v6 =	vshll.u32 v5, $0x1  }
0x23: {  	v5 =	vand.u32 $0x7, v5;
	v6 =	vand.u32 $0xFFFFFFF0, v6  }
0x24: {  	v5 =	vor.u32 v5, v6  }
0x25: {  	v6 =	vperm.xlane v5, v0;
	_ =	sdelay $0x1  }
0x26: {  	v5 =	vperm.xlane v5, v2;
	v6 =	vadd.s32 v1, v6;
	_ =	sdelay $0x1  }
0x27: {  	v5 =	vadd.s32 v1, v5;
	_ =	sdelay $0x2  }
0x28: {  	[tilespmem:s11], [sflag:$0x1] =	stream.indirect_vreg.gather [hbm4b:s1+s3], $0x80, v6, vm0, $0xb8;
	[tilespmem:$0xA080] =	vst v63  }
0x29: {  	_ = 	snop  }
0x2a: {  	[tilespmem:s12], [sflag:$0x1] =	stream.indirect_vreg.gather [hbm4b:s1+s3], $0x80, v5, vm0, $0xb8;
	[tilespmem:$0xA080] =	vst v63  }
0x2b: {  	v5 =	vld [tilespmem:$0x20];
	_ =	sdelay $0x4  }
0x2c: {  	v6 =	vshll.u32 v5, $0x1  }
0x2d: {  	v5 =	vand.u32 $0x7, v5;
	v6 =	vand.u32 $0xFFFFFFF0, v6  }
0x2e: {  	v5 =	vor.u32 v5, v6  }
0x2f: {  	v6 =	vperm.xlane v5, v0;
	_ =	sdelay $0x1  }
0x30: {  	v5 =	vperm.xlane v5, v2;
	v6 =	vadd.s32 v1, v6;
	_ =	sdelay $0x1  }
0x31: {  	v5 =	vadd.s32 v1, v5;
	_ =	sdelay $0x2  }
0x32: {  	[tilespmem:s13], [sflag:$0x1] =	stream.indirect_vreg.gather [hbm4b:s1+s3], $0x80, v6, vm0, $0xb8;
	[tilespmem:$0xA080] =	vst v63  }
0x33: {  	_ = 	snop  }
0x34: {  	[tilespmem:s14], [sflag:$0x1] =	stream.indirect_vreg.gather [hbm4b:s1+s3], $0x80, v5, vm0, $0xb8;
	[tilespmem:$0xA080] =	vst v63  }
0x35: {  	v5 =	vld [tilespmem:$0x30];
	_ =	sdelay $0x4  }
0x36: {  	v6 =	vshll.u32 v5, $0x1  }
0x37: {  	v5 =	vand.u32 $0x7, v5;
	v6 =	vand.u32 $0xFFFFFFF0, v6  }
0x38: {  	v5 =	vor.u32 v5, v6  }
0x39: {  	v6 =	vperm.xlane v5, v0;
	_ =	sdelay $0x1  }
0x3a: {  	v5 =	vperm.xlane v5, v2;
	v6 =	vadd.s32 v1, v6;
	_ =	sdelay $0x1  }
0x3b: {  	v5 =	vadd.s32 v1, v5;
	_ =	sdelay $0x2  }
0x3c: {  	[tilespmem:s15], [sflag:$0x1] =	stream.indirect_vreg.gather [hbm4b:s1+s3], $0x80, v6, vm0, $0xb8;
	[tilespmem:$0xA080] =	vst v63  }
0x3d: {  	_ = 	snop  }
0x3e: {  	[tilespmem:s16], [sflag:$0x1] =	stream.indirect_vreg.gather [hbm4b:s1+s3], $0x80, v5, vm0, $0xb8;
	[tilespmem:$0xA080] =	vst v63  }
0x3f: {  	v5 =	vld [tilespmem:$0x40];
	_ =	sdelay $0x4  }
0x40: {  	v6 =	vshll.u32 v5, $0x1  }
0x41: {  	v5 =	vand.u32 $0x7, v5;
	v6 =	vand.u32 $0xFFFFFFF0, v6  }
0x42: {  	v5 =	vor.u32 v5, v6  }
0x43: {  	v6 =	vperm.xlane v5, v0;
	_ =	sdelay $0x1  }
0x44: {  	v5 =	vperm.xlane v5, v2;
	v6 =	vadd.s32 v1, v6;
	_ =	sdelay $0x1  }
0x45: {  	v5 =	vadd.s32 v1, v5;
	_ =	sdelay $0x2  }
0x46: {  	[tilespmem:s17], [sflag:$0x1] =	stream.indirect_vreg.gather [hbm4b:s1+s3], $0x80, v6, vm0, $0xb8;
	[tilespmem:$0xA080] =	vst v63  }
0x47: {  	_ = 	snop  }
0x48: {  	[tilespmem:s18], [sflag:$0x1] =	stream.indirect_vreg.gather [hbm4b:s1+s3], $0x80, v5, vm0, $0xb8;
	[tilespmem:$0xA080] =	vst v63  }
0x49: {  	v5 =	vld [tilespmem:$0x50];
	_ =	sdelay $0x4  }
0x4a: {  	v6 =	vshll.u32 v5, $0x1  }
0x4b: {  	v5 =	vand.u32 $0x7, v5;
	v6 =	vand.u32 $0xFFFFFFF0, v6  }
0x4c: {  	v5 =	vor.u32 v5, v6  }
0x4d: {  	v6 =	vperm.xlane v5, v0;
	_ =	sdelay $0x1  }
0x4e: {  	v5 =	vperm.xlane v5, v2;
	v6 =	vadd.s32 v1, v6;
	_ =	sdelay $0x1  }
0x4f: {  	v5 =	vadd.s32 v1, v5;
	_ =	sdelay $0x2  }
0x50: {  	[tilespmem:s19], [sflag:$0x1] =	stream.indirect_vreg.gather [hbm4b:s1+s3], $0x80, v6, vm0, $0xb8;
	[tilespmem:$0xA080] =	vst v63  }
0x51: {  	_ = 	snop  }
0x52: {  	[tilespmem:s20], [sflag:$0x1] =	stream.indirect_vreg.gather [hbm4b:s1+s3], $0x80, v5, vm0, $0xb8;
	[tilespmem:$0xA080] =	vst v63  }
0x53: {  	v5 =	vld [tilespmem:$0x60];
	_ =	sdelay $0x4  }
0x54: {  	v6 =	vshll.u32 v5, $0x1  }
0x55: {  	v5 =	vand.u32 $0x7, v5;
	v6 =	vand.u32 $0xFFFFFFF0, v6  }
0x56: {  	v5 =	vor.u32 v5, v6  }
0x57: {  	v6 =	vperm.xlane v5, v0;
	_ =	sdelay $0x1  }
0x58: {  	v5 =	vperm.xlane v5, v2;
	v6 =	vadd.s32 v1, v6;
	_ =	sdelay $0x1  }
0x59: {  	v5 =	vadd.s32 v1, v5;
	_ =	sdelay $0x2  }
0x5a: {  	[tilespmem:s21], [sflag:$0x1] =	stream.indirect_vreg.gather [hbm4b:s1+s3], $0x80, v6, vm0, $0xb8;
	[tilespmem:$0xA080] =	vst v63  }
0x5b: {  	_ = 	snop  }
0x5c: {  	[tilespmem:s22], [sflag:$0x1] =	stream.indirect_vreg.gather [hbm4b:s1+s3], $0x80, v5, vm0, $0xb8;
	[tilespmem:$0xA080] =	vst v63  }
0x5d: {  	v5 =	vld [tilespmem:$0x70];
	_ =	sdelay $0x4  }
0x5e: {  	v6 =	vshll.u32 v5, $0x1  }
0x5f: {  	v5 =	vand.u32 $0x7, v5;
	v6 =	vand.u32 $0xFFFFFFF0, v6  }
0x60: {  	v5 =	vor.u32 v5, v6  }
0x61: {  	v6 =	vperm.xlane v5, v0;
	_ =	sdelay $0x1  }
0x62: {  	v5 =	vperm.xlane v5, v2;
	v6 =	vadd.s32 v1, v6;
	_ =	sdelay $0x1  }
0x63: {  	v5 =	vadd.s32 v1, v5;
	_ =	sdelay $0x2  }
0x64: {  	[tilespmem:s23], [sflag:$0x1] =	stream.indirect_vreg.gather [hbm4b:s1+s3], $0x80, v6, vm0, $0xb8;
	[tilespmem:$0xA080] =	vst v63  }
0x65: {  	s30 =	simm.s32 $0x0;
	s31 =	simm.s32 $0x200  }
0x66: {  	[tilespmem:s24], [sflag:$0x1] =	stream.indirect_vreg.gather [hbm4b:s1+s3], $0x80, v5, vm0, $0xb8;
	[tilespmem:$0xA080] =	vst v63  }
.LBB2_2:
0x67: {  	p0 =	sne.s32 s31, $0x7E00;
	[tilespmem:s30+$0x80F0] =	vst v3  }
0x68: {  	[tilespmem:s30+$0x8080] =	vst v3  }
0x69: {  	[tilespmem:s30+$0x8090] =	vst v3  }
.Ltmp0:
0x6a: {  	[tilespmem:s30+$0x80A0] =	vst v3;
	(pc) =	sbr.rel @p0 .LBB2_2-.Ltmp0, $4  }
0x6b: {  	[tilespmem:s30+$0x80B0] =	vst v3  }
0x6c: {  	[tilespmem:s30+$0x80C0] =	vst v3  }
0x6d: {  	[tilespmem:s30+$0x80D0] =	vst v3  }
0x6e: {  	[tilespmem:s30+$0x80E0] =	vst v3;
	s30 =	sshra.s32 s31, $0x2;
	s31 =	sadd.s32 $0x200, s31  }
0x6f: {  	[tilespmem:s30+$0x80F0] =	vst v3  }
0x70: {  	[tilespmem:s30+$0x8080] =	vst v3  }
0x71: {  	[tilespmem:s30+$0x8090] =	vst v3  }
0x72: {  	[tilespmem:s30+$0x80A0] =	vst v3  }
0x73: {  	[tilespmem:s30+$0x80B0] =	vst v3  }
0x74: {  	[tilespmem:s30+$0x80C0] =	vst v3  }
0x75: {  	[tilespmem:s30+$0x80D0] =	vst v3  }
0x76: {  	[tilespmem:s30+$0x80E0] =	vst v3  }
0x77: {  	v5 =	vld [tilespmem:$0x0];
	_ =	sdelay $0x7  }
0x78: {  	[tilespmem:v5+s25+$0x0] =	vst.idx.add.f32.msk $0x1, v4  }
0x79: {  	[tilespmem:v5+s25+$0x0] =	vst.idx.add.f32.msk vm1, v4  }
0x7a: {  	[tilespmem:v5+s25+$0x0] =	vst.idx.add.f32.msk vm2, v4  }
0x7b: {  	[tilespmem:v5+s25+$0x0] =	vst.idx.add.f32.msk vm3, v4  }
0x7c: {  	[tilespmem:v5+s25+$0x0] =	vst.idx.add.f32.msk vm4, v4  }
0x7d: {  	[tilespmem:v5+s25+$0x0] =	vst.idx.add.f32.msk vm5, v4  }
0x7e: {  	[tilespmem:v5+s25+$0x0] =	vst.idx.add.f32.msk vm6, v4  }
0x7f: {  	[tilespmem:v5+s25+$0x0] =	vst.idx.add.f32.msk vm7, v4  }
0x80: {  	[tilespmem:v5+s25+$0x0] =	vst.idx.add.f32.msk vm8, v4  }
0x81: {  	[tilespmem:v5+s25+$0x0] =	vst.idx.add.f32.msk vm9, v4  }
0x82: {  	[tilespmem:v5+s25+$0x0] =	vst.idx.add.f32.msk vm10, v4  }
0x83: {  	[tilespmem:v5+s25+$0x0] =	vst.idx.add.f32.msk vm11, v4  }
0x84: {  	[tilespmem:v5+s25+$0x0] =	vst.idx.add.f32.msk vm12, v4  }
0x85: {  	[tilespmem:v5+s25+$0x0] =	vst.idx.add.f32.msk vm13, v4  }
0x86: {  	[tilespmem:v5+s25+$0x0] =	vst.idx.add.f32.msk vm14, v4  }
0x87: {  	[tilespmem:v5+s25+$0x0] =	vst.idx.add.f32.msk vm15, v4  }
0x88: {  	v5 =	vld [tilespmem:$0x10];
	_ =	sdelay $0x7  }
0x89: {  	[tilespmem:v5+s25+$0x0] =	vst.idx.add.f32.msk $0x1, v4  }
0x8a: {  	[tilespmem:v5+s25+$0x0] =	vst.idx.add.f32.msk vm1, v4  }
0x8b: {  	[tilespmem:v5+s25+$0x0] =	vst.idx.add.f32.msk vm2, v4  }
0x8c: {  	[tilespmem:v5+s25+$0x0] =	vst.idx.add.f32.msk vm3, v4  }
0x8d: {  	[tilespmem:v5+s25+$0x0] =	vst.idx.add.f32.msk vm4, v4  }
0x8e: {  	[tilespmem:v5+s25+$0x0] =	vst.idx.add.f32.msk vm5, v4  }
0x8f: {  	[tilespmem:v5+s25+$0x0] =	vst.idx.add.f32.msk vm6, v4  }
0x90: {  	[tilespmem:v5+s25+$0x0] =	vst.idx.add.f32.msk vm7, v4  }
0x91: {  	[tilespmem:v5+s25+$0x0] =	vst.idx.add.f32.msk vm8, v4  }
0x92: {  	[tilespmem:v5+s25+$0x0] =	vst.idx.add.f32.msk vm9, v4  }
0x93: {  	[tilespmem:v5+s25+$0x0] =	vst.idx.add.f32.msk vm10, v4  }
0x94: {  	[tilespmem:v5+s25+$0x0] =	vst.idx.add.f32.msk vm11, v4  }
0x95: {  	[tilespmem:v5+s25+$0x0] =	vst.idx.add.f32.msk vm12, v4  }
0x96: {  	[tilespmem:v5+s25+$0x0] =	vst.idx.add.f32.msk vm13, v4  }
0x97: {  	[tilespmem:v5+s25+$0x0] =	vst.idx.add.f32.msk vm14, v4  }
0x98: {  	[tilespmem:v5+s25+$0x0] =	vst.idx.add.f32.msk vm15, v4  }
0x99: {  	v5 =	vld [tilespmem:$0x20];
	_ =	sdelay $0x7  }
0x9a: {  	[tilespmem:v5+s25+$0x0] =	vst.idx.add.f32.msk $0x1, v4  }
0x9b: {  	[tilespmem:v5+s25+$0x0] =	vst.idx.add.f32.msk vm1, v4  }
0x9c: {  	[tilespmem:v5+s25+$0x0] =	vst.idx.add.f32.msk vm2, v4  }
0x9d: {  	[tilespmem:v5+s25+$0x0] =	vst.idx.add.f32.msk vm3, v4  }
0x9e: {  	[tilespmem:v5+s25+$0x0] =	vst.idx.add.f32.msk vm4, v4  }
0x9f: {  	[tilespmem:v5+s25+$0x0] =	vst.idx.add.f32.msk vm5, v4  }
0xa0: {  	[tilespmem:v5+s25+$0x0] =	vst.idx.add.f32.msk vm6, v4  }
0xa1: {  	[tilespmem:v5+s25+$0x0] =	vst.idx.add.f32.msk vm7, v4  }
0xa2: {  	[tilespmem:v5+s25+$0x0] =	vst.idx.add.f32.msk vm8, v4  }
0xa3: {  	[tilespmem:v5+s25+$0x0] =	vst.idx.add.f32.msk vm9, v4  }
0xa4: {  	[tilespmem:v5+s25+$0x0] =	vst.idx.add.f32.msk vm10, v4  }
0xa5: {  	[tilespmem:v5+s25+$0x0] =	vst.idx.add.f32.msk vm11, v4  }
0xa6: {  	[tilespmem:v5+s25+$0x0] =	vst.idx.add.f32.msk vm12, v4  }
0xa7: {  	[tilespmem:v5+s25+$0x0] =	vst.idx.add.f32.msk vm13, v4  }
0xa8: {  	[tilespmem:v5+s25+$0x0] =	vst.idx.add.f32.msk vm14, v4  }
0xa9: {  	[tilespmem:v5+s25+$0x0] =	vst.idx.add.f32.msk vm15, v4  }
0xaa: {  	v5 =	vld [tilespmem:$0x30];
	_ =	sdelay $0x7  }
0xab: {  	[tilespmem:v5+s25+$0x0] =	vst.idx.add.f32.msk $0x1, v4  }
0xac: {  	[tilespmem:v5+s25+$0x0] =	vst.idx.add.f32.msk vm1, v4  }
0xad: {  	[tilespmem:v5+s25+$0x0] =	vst.idx.add.f32.msk vm2, v4  }
0xae: {  	[tilespmem:v5+s25+$0x0] =	vst.idx.add.f32.msk vm3, v4  }
0xaf: {  	[tilespmem:v5+s25+$0x0] =	vst.idx.add.f32.msk vm4, v4  }
0xb0: {  	[tilespmem:v5+s25+$0x0] =	vst.idx.add.f32.msk vm5, v4  }
0xb1: {  	[tilespmem:v5+s25+$0x0] =	vst.idx.add.f32.msk vm6, v4  }
0xb2: {  	[tilespmem:v5+s25+$0x0] =	vst.idx.add.f32.msk vm7, v4  }
0xb3: {  	[tilespmem:v5+s25+$0x0] =	vst.idx.add.f32.msk vm8, v4  }
0xb4: {  	[tilespmem:v5+s25+$0x0] =	vst.idx.add.f32.msk vm9, v4  }
0xb5: {  	[tilespmem:v5+s25+$0x0] =	vst.idx.add.f32.msk vm10, v4  }
0xb6: {  	[tilespmem:v5+s25+$0x0] =	vst.idx.add.f32.msk vm11, v4  }
0xb7: {  	[tilespmem:v5+s25+$0x0] =	vst.idx.add.f32.msk vm12, v4  }
0xb8: {  	[tilespmem:v5+s25+$0x0] =	vst.idx.add.f32.msk vm13, v4  }
0xb9: {  	[tilespmem:v5+s25+$0x0] =	vst.idx.add.f32.msk vm14, v4  }
0xba: {  	[tilespmem:v5+s25+$0x0] =	vst.idx.add.f32.msk vm15, v4  }
0xbb: {  	v5 =	vld [tilespmem:$0x40];
	_ =	sdelay $0x7  }
0xbc: {  	[tilespmem:v5+s25+$0x0] =	vst.idx.add.f32.msk $0x1, v4  }
0xbd: {  	[tilespmem:v5+s25+$0x0] =	vst.idx.add.f32.msk vm1, v4  }
0xbe: {  	[tilespmem:v5+s25+$0x0] =	vst.idx.add.f32.msk vm2, v4  }
0xbf: {  	[tilespmem:v5+s25+$0x0] =	vst.idx.add.f32.msk vm3, v4  }
0xc0: {  	[tilespmem:v5+s25+$0x0] =	vst.idx.add.f32.msk vm4, v4  }
0xc1: {  	[tilespmem:v5+s25+$0x0] =	vst.idx.add.f32.msk vm5, v4  }
0xc2: {  	[tilespmem:v5+s25+$0x0] =	vst.idx.add.f32.msk vm6, v4  }
0xc3: {  	[tilespmem:v5+s25+$0x0] =	vst.idx.add.f32.msk vm7, v4  }
0xc4: {  	[tilespmem:v5+s25+$0x0] =	vst.idx.add.f32.msk vm8, v4  }
0xc5: {  	[tilespmem:v5+s25+$0x0] =	vst.idx.add.f32.msk vm9, v4  }
0xc6: {  	[tilespmem:v5+s25+$0x0] =	vst.idx.add.f32.msk vm10, v4  }
0xc7: {  	[tilespmem:v5+s25+$0x0] =	vst.idx.add.f32.msk vm11, v4  }
0xc8: {  	[tilespmem:v5+s25+$0x0] =	vst.idx.add.f32.msk vm12, v4  }
0xc9: {  	[tilespmem:v5+s25+$0x0] =	vst.idx.add.f32.msk vm13, v4  }
0xca: {  	[tilespmem:v5+s25+$0x0] =	vst.idx.add.f32.msk vm14, v4  }
0xcb: {  	[tilespmem:v5+s25+$0x0] =	vst.idx.add.f32.msk vm15, v4  }
0xcc: {  	v5 =	vld [tilespmem:$0x50];
	_ =	sdelay $0x7  }
0xcd: {  	[tilespmem:v5+s25+$0x0] =	vst.idx.add.f32.msk $0x1, v4  }
0xce: {  	[tilespmem:v5+s25+$0x0] =	vst.idx.add.f32.msk vm1, v4  }
0xcf: {  	[tilespmem:v5+s25+$0x0] =	vst.idx.add.f32.msk vm2, v4  }
0xd0: {  	[tilespmem:v5+s25+$0x0] =	vst.idx.add.f32.msk vm3, v4  }
0xd1: {  	[tilespmem:v5+s25+$0x0] =	vst.idx.add.f32.msk vm4, v4  }
0xd2: {  	[tilespmem:v5+s25+$0x0] =	vst.idx.add.f32.msk vm5, v4  }
0xd3: {  	[tilespmem:v5+s25+$0x0] =	vst.idx.add.f32.msk vm6, v4  }
0xd4: {  	[tilespmem:v5+s25+$0x0] =	vst.idx.add.f32.msk vm7, v4  }
0xd5: {  	[tilespmem:v5+s25+$0x0] =	vst.idx.add.f32.msk vm8, v4  }
0xd6: {  	[tilespmem:v5+s25+$0x0] =	vst.idx.add.f32.msk vm9, v4  }
0xd7: {  	[tilespmem:v5+s25+$0x0] =	vst.idx.add.f32.msk vm10, v4  }
0xd8: {  	[tilespmem:v5+s25+$0x0] =	vst.idx.add.f32.msk vm11, v4  }
0xd9: {  	[tilespmem:v5+s25+$0x0] =	vst.idx.add.f32.msk vm12, v4  }
0xda: {  	[tilespmem:v5+s25+$0x0] =	vst.idx.add.f32.msk vm13, v4  }
0xdb: {  	[tilespmem:v5+s25+$0x0] =	vst.idx.add.f32.msk vm14, v4  }
0xdc: {  	[tilespmem:v5+s25+$0x0] =	vst.idx.add.f32.msk vm15, v4  }
0xdd: {  	v5 =	vld [tilespmem:$0x60];
	_ =	sdelay $0x7  }
0xde: {  	[tilespmem:v5+s25+$0x0] =	vst.idx.add.f32.msk $0x1, v4  }
0xdf: {  	[tilespmem:v5+s25+$0x0] =	vst.idx.add.f32.msk vm1, v4  }
0xe0: {  	[tilespmem:v5+s25+$0x0] =	vst.idx.add.f32.msk vm2, v4  }
0xe1: {  	[tilespmem:v5+s25+$0x0] =	vst.idx.add.f32.msk vm3, v4  }
0xe2: {  	[tilespmem:v5+s25+$0x0] =	vst.idx.add.f32.msk vm4, v4  }
0xe3: {  	[tilespmem:v5+s25+$0x0] =	vst.idx.add.f32.msk vm5, v4  }
0xe4: {  	[tilespmem:v5+s25+$0x0] =	vst.idx.add.f32.msk vm6, v4  }
0xe5: {  	[tilespmem:v5+s25+$0x0] =	vst.idx.add.f32.msk vm7, v4  }
0xe6: {  	[tilespmem:v5+s25+$0x0] =	vst.idx.add.f32.msk vm8, v4  }
0xe7: {  	[tilespmem:v5+s25+$0x0] =	vst.idx.add.f32.msk vm9, v4  }
0xe8: {  	[tilespmem:v5+s25+$0x0] =	vst.idx.add.f32.msk vm10, v4  }
0xe9: {  	[tilespmem:v5+s25+$0x0] =	vst.idx.add.f32.msk vm11, v4  }
0xea: {  	[tilespmem:v5+s25+$0x0] =	vst.idx.add.f32.msk vm12, v4  }
0xeb: {  	[tilespmem:v5+s25+$0x0] =	vst.idx.add.f32.msk vm13, v4  }
0xec: {  	[tilespmem:v5+s25+$0x0] =	vst.idx.add.f32.msk vm14, v4  }
0xed: {  	[tilespmem:v5+s25+$0x0] =	vst.idx.add.f32.msk vm15, v4  }
0xee: {  	v5 =	vld [tilespmem:$0x70];
	_ =	sdelay $0x7  }
0xef: {  	[tilespmem:v5+s25+$0x0] =	vst.idx.add.f32.msk $0x1, v4  }
0xf0: {  	[tilespmem:v5+s25+$0x0] =	vst.idx.add.f32.msk vm1, v4  }
0xf1: {  	[tilespmem:v5+s25+$0x0] =	vst.idx.add.f32.msk vm2, v4  }
0xf2: {  	[tilespmem:v5+s25+$0x0] =	vst.idx.add.f32.msk vm3, v4  }
0xf3: {  	[tilespmem:v5+s25+$0x0] =	vst.idx.add.f32.msk vm4, v4  }
0xf4: {  	[tilespmem:v5+s25+$0x0] =	vst.idx.add.f32.msk vm5, v4  }
0xf5: {  	[tilespmem:v5+s25+$0x0] =	vst.idx.add.f32.msk vm6, v4  }
0xf6: {  	[tilespmem:v5+s25+$0x0] =	vst.idx.add.f32.msk vm7, v4  }
0xf7: {  	[tilespmem:v5+s25+$0x0] =	vst.idx.add.f32.msk vm8, v4  }
0xf8: {  	[tilespmem:v5+s25+$0x0] =	vst.idx.add.f32.msk vm9, v4  }
0xf9: {  	[tilespmem:v5+s25+$0x0] =	vst.idx.add.f32.msk vm10, v4  }
0xfa: {  	[tilespmem:v5+s25+$0x0] =	vst.idx.add.f32.msk vm11, v4  }
0xfb: {  	[tilespmem:v5+s25+$0x0] =	vst.idx.add.f32.msk vm12, v4  }
0xfc: {  	[tilespmem:v5+s25+$0x0] =	vst.idx.add.f32.msk vm13, v4  }
0xfd: {  	[tilespmem:v5+s25+$0x0] =	vst.idx.add.f32.msk vm14, v4  }
0xfe: {  	[tilespmem:v5+s25+$0x0] =	vst.idx.add.f32.msk vm15, v4  }
0xff: {  	_ =	swait.ge [sflag:s26], $0x8000  }
0x100: {  	[sflag:s26] =	ssyncset.done $0x0  }
0x101: {  	[sflag:s26] =	ssyncadd.s32 $0xFFFF8000  }
0x102: {  	[hbm4b:s5+s3] =	stream.linear.scatter [tilespmem:s9], [sflag:$0x2], $0x8000, $0x38;
	[tilespmem:$0xA080] =	vst v63  }
0x103: {  	s29 =	sadd.s32 $0x1, s29;
	_ =	swait.ge [sflag:s8], $0x8000  }
0x104: {  	p0 =	sne.s32 s29, s7;
	[sflag:s8] =	ssyncset.done $0x0  }
.Ltmp1:
0x105: {  	[sflag:s8] =	ssyncadd.s32 $0xFFFF8000;
	(pc) =	sbr.rel @p0 .LBB2_1-.Ltmp1, $4  }
0x106: {  	[hbm4b:s6+s9] =	stream.strided.scatter [tilespmem:s25], [sflag:$0x2], $0x2000, s28, s9, $0x38;
	[tilespmem:$0xA080] =	vst v63  }
0x107: {  	_ =	swait.ge [sflag:s8], $0x2000  }
0x108: {  	[sflag:s8] =	ssyncset.done $0x0  }
0x109: {  	[sflag:s8] =	ssyncadd.s32 $0xFFFFE000  }
0x10a: {  	_ =	sfence.sel $0x180000  }
0x10b: {  	[bflag:$0x0] =	sbarrier.arrive $0xFFFF  }
0x10c: {  	p0 =	sne.s32 s2, $0x0;
	_ =	strace $0x90000047  }
0x10d: {  	s0 =	sadd.s32 @!p0 $0x100000, s0;
	[bflag:$0x2] =	sbarrier.arrive $0xFFFF  }
0x10e: {  	[sflag:s0] =	ssyncadd.tile.s32 @!p0 $0x1;
	_ =	shalt  }
.Lfunc_end2:
_tile_overlayer_lowered:
.L_overlay_start_2:
0x10f: {  	(tag) =	ssettag $0x2  }
0x110: {  	s0 =	rddreg [dreg:$0x0];
	s2 =	stileid.u32  }
0x111: {  	s1 =	rddreg [dreg:$0x1];
	p0 =	sne.s32 s2, $0x0  }
0x112: {  	s3 =	rddreg [dreg:$0x2];
	[bflag:$0x3] =	sbarrier.arrive $0xFFFF;
	s2 =	simm.s32 @!p0 $0x1C02  }
0x113: {  	[timem:s3], [sflag:s2] =	dma.local @!p0 [hbm:s0], s1  }
0x114: {  	s0 =	simm.s32 @!p0 $0x2  }
0x115: {  	_ =	swait.ge @!p0 [sflag:s0], s1  }
0x116: {  	s1 =	ssub.s32 @!p0 $0x0, s1;
	[sflag:s0] =	ssyncset.done @!p0 $0x0  }
0x117: {  	[sflag:s0] =	ssyncadd.s32 @!p0 s1  }
0x118: {  	[bflag:$0x3] =	sbarrier.arrive $0xFFFF  }
0x119: {  	_ =	shalt  }

</sc_bundles>
